<compile_context>
chip_gen: v7x
topology: tpu7x:2x2x1
jax: 0.10.2.dev20260603
libtpu: 0.0.44.dev20260713+nightly
codegen_flags: <defaults>
</compile_context>

<pallas_src>
import functools

import jax
import jax.numpy as jnp
from jax import lax
from jax.experimental import pallas as pl
from jax.experimental.pallas import tpu as pltpu
from jax.experimental.pallas import tpu_sc as plsc

_NUM_CLASSES = 1000000
_FEAT = 64
_BATCH = 16384
_LAMBDA = 0.003

_NC = 2
_NS = 16
_NW = _NC * _NS
_ROWS = _BATCH // _NW
_SEG = 256


def _sc_partials(centers, labels1d, features):
    mesh = plsc.VectorSubcoreMesh(core_axis_name="c", subcore_axis_name="s",
                                  num_cores=_NC, num_subcores=_NS)

    @functools.partial(
        pl.kernel,
        out_type=jax.ShapeDtypeStruct((_NW, 128), jnp.float32),
        mesh=mesh,
        scratch_types=[
            pltpu.VMEM((_ROWS,), jnp.int32),
            pltpu.VMEM((_SEG, _FEAT), jnp.float32),
            pltpu.VMEM((_SEG, _FEAT), jnp.float32),
            pltpu.VMEM((128,), jnp.float32),
            [pltpu.SemaphoreType.DMA] * 8,
            pltpu.SemaphoreType.DMA,
        ],
    )
    def k(c_hbm, labels_hbm, f_hbm, out_hbm, lbuf, rowbuf, fbuf, accv, gsems, fsem):
        wid = lax.axis_index("s") * _NC + lax.axis_index("c")
        base = wid * _ROWS

        pltpu.sync_copy(labels_hbm.at[pl.ds(base, _ROWS)], lbuf)

        acc = jnp.zeros((16,), jnp.float32)
        for seg in range(_ROWS // _SEG):
            fcp = pltpu.async_copy(
                f_hbm.at[pl.ds(base + seg * _SEG, _SEG), :], fbuf, fsem)

            def fire_body(g, _, seg=seg):
                lv = lbuf[pl.ds(seg * _SEG + g * 16, 16)]
                for j in range(16):
                    pltpu.async_copy(c_hbm.at[lv[j]], rowbuf.at[g * 16 + j],
                                     gsems[j % 8])
                return 0

            lax.fori_loop(0, _SEG // 16, fire_body, 0)
            fcp.wait()
            for q in range(8):
                pltpu.make_async_copy(
                    f_hbm.at[pl.ds(0, _SEG // 8), :],
                    rowbuf.at[pl.ds(0, _SEG // 8)], gsems[q]).wait()

            def comp_body(r, acc):
                for c in range(_FEAT // 16):
                    fv = fbuf[r, pl.ds(c * 16, 16)]
                    cv = rowbuf[r, pl.ds(c * 16, 16)]
                    d = fv - cv
                    acc = acc + d * d
                return acc

            acc = lax.fori_loop(0, _SEG, comp_body, acc)

        zero16 = jnp.zeros((16,), jnp.float32)
        for i in range(8):
            accv[pl.ds(i * 16, 16)] = acc if i == 0 else zero16
        pltpu.sync_copy(accv, out_hbm.at[wid])

    return k(centers, labels1d, features)


def _reduce_body(p_ref, o_ref):
    s = jnp.sum(p_ref[...]) * (_LAMBDA / (2.0 * _BATCH))
    o_ref[...] = s[None, None]


def kernel(features, labels, centers):
    labels1d = labels.reshape(_BATCH)
    partials = _sc_partials(centers, labels1d, features)
    out = pl.pallas_call(
        _reduce_body,
        out_shape=jax.ShapeDtypeStruct((1, 1), jnp.float32),
    )(partials)
    return out[0, 0]

# --- scband reference (transcript-rebuilt; emitter-appended) ---
"""Pipeline reference for scband-center-loss-56521769615489 (READ-ONLY COPY).

The authoritative reference and input builder live on the scoring server;
editing this copy changes nothing except your own understanding.
"""

import jax, jax.numpy as jnp
import numpy as np

NUM_CLASSES = 1000000
FEAT_DIM = 64
BATCH = 16384
LAMBDA_C = 0.003


def setup_inputs(seed: int = 0) -> dict:
    key = jax.random.key(seed)
    k1, k2, k3 = jax.random.split(key, 3)
    features = jax.random.normal(k1, (BATCH, FEAT_DIM), dtype=jnp.float32)
    labels = jax.random.randint(k2, (BATCH, 1), 0, NUM_CLASSES, dtype=jnp.int64 if jax.config.jax_enable_x64 else jnp.int32).astype(jnp.int32)
    # xavier_normal init for centers: std = sqrt(2 / (fan_in + fan_out))
    std = float(np.sqrt(2.0 / (NUM_CLASSES + FEAT_DIM)))
    centers = jax.random.normal(k3, (NUM_CLASSES, FEAT_DIM), dtype=jnp.float32) * std
    return {"features": features, "labels": labels, "centers": centers}


def reference(features, labels, centers):
    lab = jnp.squeeze(labels, axis=1)
    centers_batch = jnp.take(centers, lab, axis=0)
    diff = features - centers_batch
    center_loss = jnp.mean(jnp.sum(diff * diff, axis=1)) / 2.0
    return LAMBDA_C * center_loss

if __name__ == "__main__":
    import jax
    _d = setup_inputs()
    print(jax.jit(kernel)(*tuple(_d.values())))

</pallas_src>

<mosaic_0001>
#map = affine_map<(d0, d1) -> (0, 0)>
#map1 = affine_map<(d0, d1) -> (0)>
module attributes {stable_mosaic.version = 14 : i64} {
  func.func @k(%arg0: i32, %arg1: i32, %arg2: memref<1000000x64xf32, #tpu.memory_space<hbm>>, %arg3: memref<16384xi32, #tpu.memory_space<hbm>>, %arg4: memref<16384x64xf32, #tpu.memory_space<hbm>>, %arg5: memref<32x128xf32, #tpu.memory_space<hbm>>, %arg6: memref<512xi32, #tpu.memory_space<vmem>>, %arg7: memref<256x64xf32, #tpu.memory_space<vmem>>, %arg8: memref<256x64xf32, #tpu.memory_space<vmem>>, %arg9: memref<128xf32, #tpu.memory_space<vmem>>, %arg10: memref<!tpu.dma_semaphore, #tpu.memory_space<semaphore_mem>>, %arg11: memref<!tpu.dma_semaphore, #tpu.memory_space<semaphore_mem>>, %arg12: memref<!tpu.dma_semaphore, #tpu.memory_space<semaphore_mem>>, %arg13: memref<!tpu.dma_semaphore, #tpu.memory_space<semaphore_mem>>, %arg14: memref<!tpu.dma_semaphore, #tpu.memory_space<semaphore_mem>>, %arg15: memref<!tpu.dma_semaphore, #tpu.memory_space<semaphore_mem>>, %arg16: memref<!tpu.dma_semaphore, #tpu.memory_space<semaphore_mem>>, %arg17: memref<!tpu.dma_semaphore, #tpu.memory_space<semaphore_mem>>, %arg18: memref<!tpu.dma_semaphore, #tpu.memory_space<semaphore_mem>>) attributes {dimension_semantics = [#tpu.dimension_semantics<core_parallel>, #tpu.dimension_semantics<subcore_parallel>], iteration_bounds = array<i64: 2, 16>, scalar_prefetch = 0 : i64, scratch_operands = 13 : i64, tpu.core_type = #tpu.core_type<sc_vector_subcore>, window_params = [{transform_indices = #map}, {transform_indices = #map1}, {transform_indices = #map}, {transform_indices = #map}]} {
    %mul3A = arith.constant 2 : i32
    %mul3A_0 = arith.muli %arg1, %mul3A : i32
    %add3A = arith.addi %mul3A_0, %arg0 : i32
    %mul3A_1 = arith.constant 512 : i32
    %mul3A_2 = arith.muli %add3A, %mul3A_1 : i32
    "tpu.region"() ({
      %run_scoped3A = tpu.sem_alloc : memref<!tpu.dma_semaphore, #tpu.memory_space<semaphore_mem>>
      %dma_start3A_272 = tpu.memref_slice %arg3[%mul3A_2] : memref<16384xi32, #tpu.memory_space<hbm>> -> memref<512xi32, #tpu.memory_space<hbm>>
      %dma_start3A_273 = tpu.memref_slice %arg3[%mul3A_2] : memref<16384xi32, #tpu.memory_space<hbm>> -> memref<512xi32, #tpu.memory_space<hbm>>
      tpu.enqueue_dma source(%dma_start3A_273 : memref<512xi32, #tpu.memory_space<hbm>>) target(%arg6 : memref<512xi32, #tpu.memory_space<vmem>>) target_semaphore(%run_scoped3A : memref<!tpu.dma_semaphore, #tpu.memory_space<semaphore_mem>>)
      %dma_wait3A_274 = tpu.memref_slice %arg3[%mul3A_2] : memref<16384xi32, #tpu.memory_space<hbm>> -> memref<512xi32, #tpu.memory_space<hbm>>
      %dma_wait3A_275 = tpu.memref_slice %arg3[%mul3A_2] : memref<16384xi32, #tpu.memory_space<hbm>> -> memref<512xi32, #tpu.memory_space<hbm>>
      tpu.wait_dma2 semaphore(%run_scoped3A : memref<!tpu.dma_semaphore, #tpu.memory_space<semaphore_mem>>) src(%dma_wait3A_275 : memref<512xi32, #tpu.memory_space<hbm>>) dst(%arg6 : memref<512xi32, #tpu.memory_space<vmem>>)
      tpu.yield
    }) : () -> ()
    %broadcast_in_dim3A = arith.constant 0.000000e+00 : f32
    %broadcast_in_dim3A_3 = vector.broadcast %broadcast_in_dim3A : f32 to vector<16xf32>
    %add3A_4 = arith.constant 0 : i32
    %add3A_5 = arith.addi %mul3A_2, %add3A_4 : i32
    %dma_start3A = arith.constant 0 : i32
    %dma_start3A_6 = tpu.memref_slice %arg4[%add3A_5, %dma_start3A] : memref<16384x64xf32, #tpu.memory_space<hbm>> -> memref<256x64xf32, #tpu.memory_space<hbm>>
    %dma_start3A_7 = arith.constant 0 : i32
    %dma_start3A_8 = tpu.memref_slice %arg4[%add3A_5, %dma_start3A_7] : memref<16384x64xf32, #tpu.memory_space<hbm>> -> memref<256x64xf32, #tpu.memory_space<hbm>>
    tpu.enqueue_dma source(%dma_start3A_8 : memref<256x64xf32, #tpu.memory_space<hbm>>) target(%arg8 : memref<256x64xf32, #tpu.memory_space<vmem>>) target_semaphore(%arg18 : memref<!tpu.dma_semaphore, #tpu.memory_space<semaphore_mem>>)
    %scan3A = arith.constant 0 : i32
    %scan3A_9 = arith.constant 0 : i32
    %scan3A_10 = arith.constant 16 : i32
    %scan3A_11 = arith.addi %scan3A_9, %scan3A_10 : i32
    %scan3A_12 = arith.constant 1 : i32
    %scan3A_13 = scf.for %scan3A_272 = %scan3A_9 to %scan3A_11 step %scan3A_12 iter_args(%scan3A_273 = %scan3A) -> (i32)  : i32 {
      %mul3A_274 = arith.constant 16 : i32
      %mul3A_275 = arith.muli %scan3A_272, %mul3A_274 : i32
      %add3A_276 = arith.constant 0 : i32
      %add3A_277 = arith.addi %add3A_276, %mul3A_275 : i32
      %get3A = arith.index_cast %add3A_277 : i32 to index
      %get3A_278 = tpu.vector_load %arg6[%get3A] {strides = array<i32>} : memref<512xi32, #tpu.memory_space<vmem>>, vector<16xi32>,
      %get3A_279 = vector.shape_cast %get3A_278 : vector<16xi32> to vector<16xi32>
      %slice3A = vector.extract_strided_slice %get3A_279 {offsets = [0], sizes = [1], strides = [1]} : vector<16xi32> to vector<1xi32>
      %squeeze3A = vector.extract %slice3A[0] : i32 from vector<1xi32>
      %mul3A_280 = arith.constant 16 : i32
      %mul3A_281 = arith.muli %scan3A_272, %mul3A_280 : i32
      %add3A_282 = arith.constant 0 : i32
      %add3A_283 = arith.addi %mul3A_281, %add3A_282 : i32
      %dma_start3A_284 = arith.constant 0 : i32
      %dma_start3A_285 = tpu.memref_slice %arg7[%add3A_283, %dma_start3A_284] : memref<256x64xf32, #tpu.memory_space<vmem>> -> memref<1x64xf32, #tpu.memory_space<vmem>>
      %dma_start3A_286 = tpu.memref_squeeze %dma_start3A_285 : memref<1x64xf32, #tpu.memory_space<vmem>> -> memref<64xf32, #tpu.memory_space<vmem>>
      %dma_start3A_287 = arith.constant 0 : i32
      %dma_start3A_288 = tpu.memref_slice %arg2[%squeeze3A, %dma_start3A_287] : memref<1000000x64xf32, #tpu.memory_space<hbm>> -> memref<1x64xf32, #tpu.memory_space<hbm>>
      %dma_start3A_289 = tpu.memref_squeeze %dma_start3A_288 : memref<1x64xf32, #tpu.memory_space<hbm>> -> memref<64xf32, #tpu.memory_space<hbm>>
      %dma_start3A_290 = arith.constant 0 : i32
      %dma_start3A_291 = tpu.memref_slice %arg7[%add3A_283, %dma_start3A_290] : memref<256x64xf32, #tpu.memory_space<vmem>> -> memref<1x64xf32, #tpu.memory_space<vmem>>
      %dma_start3A_292 = tpu.memref_squeeze %dma_start3A_291 : memref<1x64xf32, #tpu.memory_space<vmem>> -> memref<64xf32, #tpu.memory_space<vmem>>
      %dma_start3A_293 = arith.constant 0 : i32
      %dma_start3A_294 = tpu.memref_slice %arg2[%squeeze3A, %dma_start3A_293] : memref<1000000x64xf32, #tpu.memory_space<hbm>> -> memref<1x64xf32, #tpu.memory_space<hbm>>
      %dma_start3A_295 = tpu.memref_squeeze %dma_start3A_294 : memref<1x64xf32, #tpu.memory_space<hbm>> -> memref<64xf32, #tpu.memory_space<hbm>>
      tpu.enqueue_dma source(%dma_start3A_295 : memref<64xf32, #tpu.memory_space<hbm>>) target(%dma_start3A_292 : memref<64xf32, #tpu.memory_space<vmem>>) target_semaphore(%arg10 : memref<!tpu.dma_semaphore, #tpu.memory_space<semaphore_mem>>)
      %slice3A_296 = vector.extract_strided_slice %get3A_279 {offsets = [1], sizes = [1], strides = [1]} : vector<16xi32> to vector<1xi32>
      %squeeze3A_297 = vector.extract %slice3A_296[0] : i32 from vector<1xi32>
      %mul3A_298 = arith.constant 16 : i32
      %mul3A_299 = arith.muli %scan3A_272, %mul3A_298 : i32
      %add3A_300 = arith.constant 1 : i32
      %add3A_301 = arith.addi %mul3A_299, %add3A_300 : i32
      %dma_start3A_302 = arith.constant 0 : i32
      %dma_start3A_303 = tpu.memref_slice %arg7[%add3A_301, %dma_start3A_302] : memref<256x64xf32, #tpu.memory_space<vmem>> -> memref<1x64xf32, #tpu.memory_space<vmem>>
      %dma_start3A_304 = tpu.memref_squeeze %dma_start3A_303 : memref<1x64xf32, #tpu.memory_space<vmem>> -> memref<64xf32, #tpu.memory_space<vmem>>
      %dma_start3A_305 = arith.constant 0 : i32
      %dma_start3A_306 = tpu.memref_slice %arg2[%squeeze3A_297, %dma_start3A_305] : memref<1000000x64xf32, #tpu.memory_space<hbm>> -> memref<1x64xf32, #tpu.memory_space<hbm>>
      %dma_start3A_307 = tpu.memref_squeeze %dma_start3A_306 : memref<1x64xf32, #tpu.memory_space<hbm>> -> memref<64xf32, #tpu.memory_space<hbm>>
      %dma_start3A_308 = arith.constant 0 : i32
      %dma_start3A_309 = tpu.memref_slice %arg7[%add3A_301, %dma_start3A_308] : memref<256x64xf32, #tpu.memory_space<vmem>> -> memref<1x64xf32, #tpu.memory_space<vmem>>
      %dma_start3A_310 = tpu.memref_squeeze %dma_start3A_309 : memref<1x64xf32, #tpu.memory_space<vmem>> -> memref<64xf32, #tpu.memory_space<vmem>>
      %dma_start3A_311 = arith.constant 0 : i32
      %dma_start3A_312 = tpu.memref_slice %arg2[%squeeze3A_297, %dma_start3A_311] : memref<1000000x64xf32, #tpu.memory_space<hbm>> -> memref<1x64xf32, #tpu.memory_space<hbm>>
      %dma_start3A_313 = tpu.memref_squeeze %dma_start3A_312 : memref<1x64xf32, #tpu.memory_space<hbm>> -> memref<64xf32, #tpu.memory_space<hbm>>
      tpu.enqueue_dma source(%dma_start3A_313 : memref<64xf32, #tpu.memory_space<hbm>>) target(%dma_start3A_310 : memref<64xf32, #tpu.memory_space<vmem>>) target_semaphore(%arg11 : memref<!tpu.dma_semaphore, #tpu.memory_space<semaphore_mem>>)
      %slice3A_314 = vector.extract_strided_slice %get3A_279 {offsets = [2], sizes = [1], strides = [1]} : vector<16xi32> to vector<1xi32>
      %squeeze3A_315 = vector.extract %slice3A_314[0] : i32 from vector<1xi32>
      %mul3A_316 = arith.constant 16 : i32
      %mul3A_317 = arith.muli %scan3A_272, %mul3A_316 : i32
      %add3A_318 = arith.constant 2 : i32
      %add3A_319 = arith.addi %mul3A_317, %add3A_318 : i32
      %dma_start3A_320 = arith.constant 0 : i32
      %dma_start3A_321 = tpu.memref_slice %arg7[%add3A_319, %dma_start3A_320] : memref<256x64xf32, #tpu.memory_space<vmem>> -> memref<1x64xf32, #tpu.memory_space<vmem>>
      %dma_start3A_322 = tpu.memref_squeeze %dma_start3A_321 : memref<1x64xf32, #tpu.memory_space<vmem>> -> memref<64xf32, #tpu.memory_space<vmem>>
      %dma_start3A_323 = arith.constant 0 : i32
      %dma_start3A_324 = tpu.memref_slice %arg2[%squeeze3A_315, %dma_start3A_323] : memref<1000000x64xf32, #tpu.memory_space<hbm>> -> memref<1x64xf32, #tpu.memory_space<hbm>>
      %dma_start3A_325 = tpu.memref_squeeze %dma_start3A_324 : memref<1x64xf32, #tpu.memory_space<hbm>> -> memref<64xf32, #tpu.memory_space<hbm>>
      %dma_start3A_326 = arith.constant 0 : i32
      %dma_start3A_327 = tpu.memref_slice %arg7[%add3A_319, %dma_start3A_326] : memref<256x64xf32, #tpu.memory_space<vmem>> -> memref<1x64xf32, #tpu.memory_space<vmem>>
      %dma_start3A_328 = tpu.memref_squeeze %dma_start3A_327 : memref<1x64xf32, #tpu.memory_space<vmem>> -> memref<64xf32, #tpu.memory_space<vmem>>
      %dma_start3A_329 = arith.constant 0 : i32
      %dma_start3A_330 = tpu.memref_slice %arg2[%squeeze3A_315, %dma_start3A_329] : memref<1000000x64xf32, #tpu.memory_space<hbm>> -> memref<1x64xf32, #tpu.memory_space<hbm>>
      %dma_start3A_331 = tpu.memref_squeeze %dma_start3A_330 : memref<1x64xf32, #tpu.memory_space<hbm>> -> memref<64xf32, #tpu.memory_space<hbm>>
      tpu.enqueue_dma source(%dma_start3A_331 : memref<64xf32, #tpu.memory_space<hbm>>) target(%dma_start3A_328 : memref<64xf32, #tpu.memory_space<vmem>>) target_semaphore(%arg12 : memref<!tpu.dma_semaphore, #tpu.memory_space<semaphore_mem>>)
      %slice3A_332 = vector.extract_strided_slice %get3A_279 {offsets = [3], sizes = [1], strides = [1]} : vector<16xi32> to vector<1xi32>
      %squeeze3A_333 = vector.extract %slice3A_332[0] : i32 from vector<1xi32>
      %mul3A_334 = arith.constant 16 : i32
      %mul3A_335 = arith.muli %scan3A_272, %mul3A_334 : i32
      %add3A_336 = arith.constant 3 : i32
      %add3A_337 = arith.addi %mul3A_335, %add3A_336 : i32
      %dma_start3A_338 = arith.constant 0 : i32
      %dma_start3A_339 = tpu.memref_slice %arg7[%add3A_337, %dma_start3A_338] : memref<256x64xf32, #tpu.memory_space<vmem>> -> memref<1x64xf32, #tpu.memory_space<vmem>>
      %dma_start3A_340 = tpu.memref_squeeze %dma_start3A_339 : memref<1x64xf32, #tpu.memory_space<vmem>> -> memref<64xf32, #tpu.memory_space<vmem>>
      %dma_start3A_341 = arith.constant 0 : i32
      %dma_start3A_342 = tpu.memref_slice %arg2[%squeeze3A_333, %dma_start3A_341] : memref<1000000x64xf32, #tpu.memory_space<hbm>> -> memref<1x64xf32, #tpu.memory_space<hbm>>
      %dma_start3A_343 = tpu.memref_squeeze %dma_start3A_342 : memref<1x64xf32, #tpu.memory_space<hbm>> -> memref<64xf32, #tpu.memory_space<hbm>>
      %dma_start3A_344 = arith.constant 0 : i32
      %dma_start3A_345 = tpu.memref_slice %arg7[%add3A_337, %dma_start3A_344] : memref<256x64xf32, #tpu.memory_space<vmem>> -> memref<1x64xf32, #tpu.memory_space<vmem>>
      %dma_start3A_346 = tpu.memref_squeeze %dma_start3A_345 : memref<1x64xf32, #tpu.memory_space<vmem>> -> memref<64xf32, #tpu.memory_space<vmem>>
      %dma_start3A_347 = arith.constant 0 : i32
      %dma_start3A_348 = tpu.memref_slice %arg2[%squeeze3A_333, %dma_start3A_347] : memref<1000000x64xf32, #tpu.memory_space<hbm>> -> memref<1x64xf32, #tpu.memory_space<hbm>>
      %dma_start3A_349 = tpu.memref_squeeze %dma_start3A_348 : memref<1x64xf32, #tpu.memory_space<hbm>> -> memref<64xf32, #tpu.memory_space<hbm>>
      tpu.enqueue_dma source(%dma_start3A_349 : memref<64xf32, #tpu.memory_space<hbm>>) target(%dma_start3A_346 : memref<64xf32, #tpu.memory_space<vmem>>) target_semaphore(%arg13 : memref<!tpu.dma_semaphore, #tpu.memory_space<semaphore_mem>>)
      %slice3A_350 = vector.extract_strided_slice %get3A_279 {offsets = [4], sizes = [1], strides = [1]} : vector<16xi32> to vector<1xi32>
      %squeeze3A_351 = vector.extract %slice3A_350[0] : i32 from vector<1xi32>
      %mul3A_352 = arith.constant 16 : i32
      %mul3A_353 = arith.muli %scan3A_272, %mul3A_352 : i32
      %add3A_354 = arith.constant 4 : i32
      %add3A_355 = arith.addi %mul3A_353, %add3A_354 : i32
      %dma_start3A_356 = arith.constant 0 : i32
      %dma_start3A_357 = tpu.memref_slice %arg7[%add3A_355, %dma_start3A_356] : memref<256x64xf32, #tpu.memory_space<vmem>> -> memref<1x64xf32, #tpu.memory_space<vmem>>
      %dma_start3A_358 = tpu.memref_squeeze %dma_start3A_357 : memref<1x64xf32, #tpu.memory_space<vmem>> -> memref<64xf32, #tpu.memory_space<vmem>>
      %dma_start3A_359 = arith.constant 0 : i32
      %dma_start3A_360 = tpu.memref_slice %arg2[%squeeze3A_351, %dma_start3A_359] : memref<1000000x64xf32, #tpu.memory_space<hbm>> -> memref<1x64xf32, #tpu.memory_space<hbm>>
      %dma_start3A_361 = tpu.memref_squeeze %dma_start3A_360 : memref<1x64xf32, #tpu.memory_space<hbm>> -> memref<64xf32, #tpu.memory_space<hbm>>
      %dma_start3A_362 = arith.constant 0 : i32
      %dma_start3A_363 = tpu.memref_slice %arg7[%add3A_355, %dma_start3A_362] : memref<256x64xf32, #tpu.memory_space<vmem>> -> memref<1x64xf32, #tpu.memory_space<vmem>>
      %dma_start3A_364 = tpu.memref_squeeze %dma_start3A_363 : memref<1x64xf32, #tpu.memory_space<vmem>> -> memref<64xf32, #tpu.memory_space<vmem>>
      %dma_start3A_365 = arith.constant 0 : i32
      %dma_start3A_366 = tpu.memref_slice %arg2[%squeeze3A_351, %dma_start3A_365] : memref<1000000x64xf32, #tpu.memory_space<hbm>> -> memref<1x64xf32, #tpu.memory_space<hbm>>
      %dma_start3A_367 = tpu.memref_squeeze %dma_start3A_366 : memref<1x64xf32, #tpu.memory_space<hbm>> -> memref<64xf32, #tpu.memory_space<hbm>>
      tpu.enqueue_dma source(%dma_start3A_367 : memref<64xf32, #tpu.memory_space<hbm>>) target(%dma_start3A_364 : memref<64xf32, #tpu.memory_space<vmem>>) target_semaphore(%arg14 : memref<!tpu.dma_semaphore, #tpu.memory_space<semaphore_mem>>)
      %slice3A_368 = vector.extract_strided_slice %get3A_279 {offsets = [5], sizes = [1], strides = [1]} : vector<16xi32> to vector<1xi32>
      %squeeze3A_369 = vector.extract %slice3A_368[0] : i32 from vector<1xi32>
      %mul3A_370 = arith.constant 16 : i32
      %mul3A_371 = arith.muli %scan3A_272, %mul3A_370 : i32
      %add3A_372 = arith.constant 5 : i32
      %add3A_373 = arith.addi %mul3A_371, %add3A_372 : i32
      %dma_start3A_374 = arith.constant 0 : i32
      %dma_start3A_375 = tpu.memref_slice %arg7[%add3A_373, %dma_start3A_374] : memref<256x64xf32, #tpu.memory_space<vmem>> -> memref<1x64xf32, #tpu.memory_space<vmem>>
      %dma_start3A_376 = tpu.memref_squeeze %dma_start3A_375 : memref<1x64xf32, #tpu.memory_space<vmem>> -> memref<64xf32, #tpu.memory_space<vmem>>
      %dma_start3A_377 = arith.constant 0 : i32
      %dma_start3A_378 = tpu.memref_slice %arg2[%squeeze3A_369, %dma_start3A_377] : memref<1000000x64xf32, #tpu.memory_space<hbm>> -> memref<1x64xf32, #tpu.memory_space<hbm>>
      %dma_start3A_379 = tpu.memref_squeeze %dma_start3A_378 : memref<1x64xf32, #tpu.memory_space<hbm>> -> memref<64xf32, #tpu.memory_space<hbm>>
      %dma_start3A_380 = arith.constant 0 : i32
      %dma_start3A_381 = tpu.memref_slice %arg7[%add3A_373, %dma_start3A_380] : memref<256x64xf32, #tpu.memory_space<vmem>> -> memref<1x64xf32, #tpu.memory_space<vmem>>
      %dma_start3A_382 = tpu.memref_squeeze %dma_start3A_381 : memref<1x64xf32, #tpu.memory_space<vmem>> -> memref<64xf32, #tpu.memory_space<vmem>>
      %dma_start3A_383 = arith.constant 0 : i32
      %dma_start3A_384 = tpu.memref_slice %arg2[%squeeze3A_369, %dma_start3A_383] : memref<1000000x64xf32, #tpu.memory_space<hbm>> -> memref<1x64xf32, #tpu.memory_space<hbm>>
      %dma_start3A_385 = tpu.memref_squeeze %dma_start3A_384 : memref<1x64xf32, #tpu.memory_space<hbm>> -> memref<64xf32, #tpu.memory_space<hbm>>
      tpu.enqueue_dma source(%dma_start3A_385 : memref<64xf32, #tpu.memory_space<hbm>>) target(%dma_start3A_382 : memref<64xf32, #tpu.memory_space<vmem>>) target_semaphore(%arg15 : memref<!tpu.dma_semaphore, #tpu.memory_space<semaphore_mem>>)
      %slice3A_386 = vector.extract_strided_slice %get3A_279 {offsets = [6], sizes = [1], strides = [1]} : vector<16xi32> to vector<1xi32>
      %squeeze3A_387 = vector.extract %slice3A_386[0] : i32 from vector<1xi32>
      %mul3A_388 = arith.constant 16 : i32
      %mul3A_389 = arith.muli %scan3A_272, %mul3A_388 : i32
      %add3A_390 = arith.constant 6 : i32
      %add3A_391 = arith.addi %mul3A_389, %add3A_390 : i32
      %dma_start3A_392 = arith.constant 0 : i32
      %dma_start3A_393 = tpu.memref_slice %arg7[%add3A_391, %dma_start3A_392] : memref<256x64xf32, #tpu.memory_space<vmem>> -> memref<1x64xf32, #tpu.memory_space<vmem>>
      %dma_start3A_394 = tpu.memref_squeeze %dma_start3A_393 : memref<1x64xf32, #tpu.memory_space<vmem>> -> memref<64xf32, #tpu.memory_space<vmem>>
      %dma_start3A_395 = arith.constant 0 : i32
      %dma_start3A_396 = tpu.memref_slice %arg2[%squeeze3A_387, %dma_start3A_395] : memref<1000000x64xf32, #tpu.memory_space<hbm>> -> memref<1x64xf32, #tpu.memory_space<hbm>>
      %dma_start3A_397 = tpu.memref_squeeze %dma_start3A_396 : memref<1x64xf32, #tpu.memory_space<hbm>> -> memref<64xf32, #tpu.memory_space<hbm>>
      %dma_start3A_398 = arith.constant 0 : i32
      %dma_start3A_399 = tpu.memref_slice %arg7[%add3A_391, %dma_start3A_398] : memref<256x64xf32, #tpu.memory_space<vmem>> -> memref<1x64xf32, #tpu.memory_space<vmem>>
      %dma_start3A_400 = tpu.memref_squeeze %dma_start3A_399 : memref<1x64xf32, #tpu.memory_space<vmem>> -> memref<64xf32, #tpu.memory_space<vmem>>
      %dma_start3A_401 = arith.constant 0 : i32
      %dma_start3A_402 = tpu.memref_slice %arg2[%squeeze3A_387, %dma_start3A_401] : memref<1000000x64xf32, #tpu.memory_space<hbm>> -> memref<1x64xf32, #tpu.memory_space<hbm>>
      %dma_start3A_403 = tpu.memref_squeeze %dma_start3A_402 : memref<1x64xf32, #tpu.memory_space<hbm>> -> memref<64xf32, #tpu.memory_space<hbm>>
      tpu.enqueue_dma source(%dma_start3A_403 : memref<64xf32, #tpu.memory_space<hbm>>) target(%dma_start3A_400 : memref<64xf32, #tpu.memory_space<vmem>>) target_semaphore(%arg16 : memref<!tpu.dma_semaphore, #tpu.memory_space<semaphore_mem>>)
      %slice3A_404 = vector.extract_strided_slice %get3A_279 {offsets = [7], sizes = [1], strides = [1]} : vector<16xi32> to vector<1xi32>
      %squeeze3A_405 = vector.extract %slice3A_404[0] : i32 from vector<1xi32>
      %mul3A_406 = arith.constant 16 : i32
      %mul3A_407 = arith.muli %scan3A_272, %mul3A_406 : i32
      %add3A_408 = arith.constant 7 : i32
      %add3A_409 = arith.addi %mul3A_407, %add3A_408 : i32
      %dma_start3A_410 = arith.constant 0 : i32
      %dma_start3A_411 = tpu.memref_slice %arg7[%add3A_409, %dma_start3A_410] : memref<256x64xf32, #tpu.memory_space<vmem>> -> memref<1x64xf32, #tpu.memory_space<vmem>>
      %dma_start3A_412 = tpu.memref_squeeze %dma_start3A_411 : memref<1x64xf32, #tpu.memory_space<vmem>> -> memref<64xf32, #tpu.memory_space<vmem>>
      %dma_start3A_413 = arith.constant 0 : i32
      %dma_start3A_414 = tpu.memref_slice %arg2[%squeeze3A_405, %dma_start3A_413] : memref<1000000x64xf32, #tpu.memory_space<hbm>> -> memref<1x64xf32, #tpu.memory_space<hbm>>
      %dma_start3A_415 = tpu.memref_squeeze %dma_start3A_414 : memref<1x64xf32, #tpu.memory_space<hbm>> -> memref<64xf32, #tpu.memory_space<hbm>>
      %dma_start3A_416 = arith.constant 0 : i32
      %dma_start3A_417 = tpu.memref_slice %arg7[%add3A_409, %dma_start3A_416] : memref<256x64xf32, #tpu.memory_space<vmem>> -> memref<1x64xf32, #tpu.memory_space<vmem>>
      %dma_start3A_418 = tpu.memref_squeeze %dma_start3A_417 : memref<1x64xf32, #tpu.memory_space<vmem>> -> memref<64xf32, #tpu.memory_space<vmem>>
      %dma_start3A_419 = arith.constant 0 : i32
      %dma_start3A_420 = tpu.memref_slice %arg2[%squeeze3A_405, %dma_start3A_419] : memref<1000000x64xf32, #tpu.memory_space<hbm>> -> memref<1x64xf32, #tpu.memory_space<hbm>>
      %dma_start3A_421 = tpu.memref_squeeze %dma_start3A_420 : memref<1x64xf32, #tpu.memory_space<hbm>> -> memref<64xf32, #tpu.memory_space<hbm>>
      tpu.enqueue_dma source(%dma_start3A_421 : memref<64xf32, #tpu.memory_space<hbm>>) target(%dma_start3A_418 : memref<64xf32, #tpu.memory_space<vmem>>) target_semaphore(%arg17 : memref<!tpu.dma_semaphore, #tpu.memory_space<semaphore_mem>>)
      %slice3A_422 = vector.extract_strided_slice %get3A_279 {offsets = [8], sizes = [1], strides = [1]} : vector<16xi32> to vector<1xi32>
      %squeeze3A_423 = vector.extract %slice3A_422[0] : i32 from vector<1xi32>
      %mul3A_424 = arith.constant 16 : i32
      %mul3A_425 = arith.muli %scan3A_272, %mul3A_424 : i32
      %add3A_426 = arith.constant 8 : i32
      %add3A_427 = arith.addi %mul3A_425, %add3A_426 : i32
      %dma_start3A_428 = arith.constant 0 : i32
      %dma_start3A_429 = tpu.memref_slice %arg7[%add3A_427, %dma_start3A_428] : memref<256x64xf32, #tpu.memory_space<vmem>> -> memref<1x64xf32, #tpu.memory_space<vmem>>
      %dma_start3A_430 = tpu.memref_squeeze %dma_start3A_429 : memref<1x64xf32, #tpu.memory_space<vmem>> -> memref<64xf32, #tpu.memory_space<vmem>>
      %dma_start3A_431 = arith.constant 0 : i32
      %dma_start3A_432 = tpu.memref_slice %arg2[%squeeze3A_423, %dma_start3A_431] : memref<1000000x64xf32, #tpu.memory_space<hbm>> -> memref<1x64xf32, #tpu.memory_space<hbm>>
      %dma_start3A_433 = tpu.memref_squeeze %dma_start3A_432 : memref<1x64xf32, #tpu.memory_space<hbm>> -> memref<64xf32, #tpu.memory_space<hbm>>
      %dma_start3A_434 = arith.constant 0 : i32
      %dma_start3A_435 = tpu.memref_slice %arg7[%add3A_427, %dma_start3A_434] : memref<256x64xf32, #tpu.memory_space<vmem>> -> memref<1x64xf32, #tpu.memory_space<vmem>>
      %dma_start3A_436 = tpu.memref_squeeze %dma_start3A_435 : memref<1x64xf32, #tpu.memory_space<vmem>> -> memref<64xf32, #tpu.memory_space<vmem>>
      %dma_start3A_437 = arith.constant 0 : i32
      %dma_start3A_438 = tpu.memref_slice %arg2[%squeeze3A_423, %dma_start3A_437] : memref<1000000x64xf32, #tpu.memory_space<hbm>> -> memref<1x64xf32, #tpu.memory_space<hbm>>
      %dma_start3A_439 = tpu.memref_squeeze %dma_start3A_438 : memref<1x64xf32, #tpu.memory_space<hbm>> -> memref<64xf32, #tpu.memory_space<hbm>>
      tpu.enqueue_dma source(%dma_start3A_439 : memref<64xf32, #tpu.memory_space<hbm>>) target(%dma_start3A_436 : memref<64xf32, #tpu.memory_space<vmem>>) target_semaphore(%arg10 : memref<!tpu.dma_semaphore, #tpu.memory_space<semaphore_mem>>)
      %slice3A_440 = vector.extract_strided_slice %get3A_279 {offsets = [9], sizes = [1], strides = [1]} : vector<16xi32> to vector<1xi32>
      %squeeze3A_441 = vector.extract %slice3A_440[0] : i32 from vector<1xi32>
      %mul3A_442 = arith.constant 16 : i32
      %mul3A_443 = arith.muli %scan3A_272, %mul3A_442 : i32
      %add3A_444 = arith.constant 9 : i32
      %add3A_445 = arith.addi %mul3A_443, %add3A_444 : i32
      %dma_start3A_446 = arith.constant 0 : i32
      %dma_start3A_447 = tpu.memref_slice %arg7[%add3A_445, %dma_start3A_446] : memref<256x64xf32, #tpu.memory_space<vmem>> -> memref<1x64xf32, #tpu.memory_space<vmem>>
      %dma_start3A_448 = tpu.memref_squeeze %dma_start3A_447 : memref<1x64xf32, #tpu.memory_space<vmem>> -> memref<64xf32, #tpu.memory_space<vmem>>
      %dma_start3A_449 = arith.constant 0 : i32
      %dma_start3A_450 = tpu.memref_slice %arg2[%squeeze3A_441, %dma_start3A_449] : memref<1000000x64xf32, #tpu.memory_space<hbm>> -> memref<1x64xf32, #tpu.memory_space<hbm>>
      %dma_start3A_451 = tpu.memref_squeeze %dma_start3A_450 : memref<1x64xf32, #tpu.memory_space<hbm>> -> memref<64xf32, #tpu.memory_space<hbm>>
      %dma_start3A_452 = arith.constant 0 : i32
      %dma_start3A_453 = tpu.memref_slice %arg7[%add3A_445, %dma_start3A_452] : memref<256x64xf32, #tpu.memory_space<vmem>> -> memref<1x64xf32, #tpu.memory_space<vmem>>
      %dma_start3A_454 = tpu.memref_squeeze %dma_start3A_453 : memref<1x64xf32, #tpu.memory_space<vmem>> -> memref<64xf32, #tpu.memory_space<vmem>>
      %dma_start3A_455 = arith.constant 0 : i32
      %dma_start3A_456 = tpu.memref_slice %arg2[%squeeze3A_441, %dma_start3A_455] : memref<1000000x64xf32, #tpu.memory_space<hbm>> -> memref<1x64xf32, #tpu.memory_space<hbm>>
      %dma_start3A_457 = tpu.memref_squeeze %dma_start3A_456 : memref<1x64xf32, #tpu.memory_space<hbm>> -> memref<64xf32, #tpu.memory_space<hbm>>
      tpu.enqueue_dma source(%dma_start3A_457 : memref<64xf32, #tpu.memory_space<hbm>>) target(%dma_start3A_454 : memref<64xf32, #tpu.memory_space<vmem>>) target_semaphore(%arg11 : memref<!tpu.dma_semaphore, #tpu.memory_space<semaphore_mem>>)
      %slice3A_458 = vector.extract_strided_slice %get3A_279 {offsets = [10], sizes = [1], strides = [1]} : vector<16xi32> to vector<1xi32>
      %squeeze3A_459 = vector.extract %slice3A_458[0] : i32 from vector<1xi32>
      %mul3A_460 = arith.constant 16 : i32
      %mul3A_461 = arith.muli %scan3A_272, %mul3A_460 : i32
      %add3A_462 = arith.constant 10 : i32
      %add3A_463 = arith.addi %mul3A_461, %add3A_462 : i32
      %dma_start3A_464 = arith.constant 0 : i32
      %dma_start3A_465 = tpu.memref_slice %arg7[%add3A_463, %dma_start3A_464] : memref<256x64xf32, #tpu.memory_space<vmem>> -> memref<1x64xf32, #tpu.memory_space<vmem>>
      %dma_start3A_466 = tpu.memref_squeeze %dma_start3A_465 : memref<1x64xf32, #tpu.memory_space<vmem>> -> memref<64xf32, #tpu.memory_space<vmem>>
      %dma_start3A_467 = arith.constant 0 : i32
      %dma_start3A_468 = tpu.memref_slice %arg2[%squeeze3A_459, %dma_start3A_467] : memref<1000000x64xf32, #tpu.memory_space<hbm>> -> memref<1x64xf32, #tpu.memory_space<hbm>>
      %dma_start3A_469 = tpu.memref_squeeze %dma_start3A_468 : memref<1x64xf32, #tpu.memory_space<hbm>> -> memref<64xf32, #tpu.memory_space<hbm>>
      %dma_start3A_470 = arith.constant 0 : i32
      %dma_start3A_471 = tpu.memref_slice %arg7[%add3A_463, %dma_start3A_470] : memref<256x64xf32, #tpu.memory_space<vmem>> -> memref<1x64xf32, #tpu.memory_space<vmem>>
      %dma_start3A_472 = tpu.memref_squeeze %dma_start3A_471 : memref<1x64xf32, #tpu.memory_space<vmem>> -> memref<64xf32, #tpu.memory_space<vmem>>
      %dma_start3A_473 = arith.constant 0 : i32
      %dma_start3A_474 = tpu.memref_slice %arg2[%squeeze3A_459, %dma_start3A_473] : memref<1000000x64xf32, #tpu.memory_space<hbm>> -> memref<1x64xf32, #tpu.memory_space<hbm>>
      %dma_start3A_475 = tpu.memref_squeeze %dma_start3A_474 : memref<1x64xf32, #tpu.memory_space<hbm>> -> memref<64xf32, #tpu.memory_space<hbm>>
      tpu.enqueue_dma source(%dma_start3A_475 : memref<64xf32, #tpu.memory_space<hbm>>) target(%dma_start3A_472 : memref<64xf32, #tpu.memory_space<vmem>>) target_semaphore(%arg12 : memref<!tpu.dma_semaphore, #tpu.memory_space<semaphore_mem>>)
      %slice3A_476 = vector.extract_strided_slice %get3A_279 {offsets = [11], sizes = [1], strides = [1]} : vector<16xi32> to vector<1xi32>
      %squeeze3A_477 = vector.extract %slice3A_476[0] : i32 from vector<1xi32>
      %mul3A_478 = arith.constant 16 : i32
      %mul3A_479 = arith.muli %scan3A_272, %mul3A_478 : i32
      %add3A_480 = arith.constant 11 : i32
      %add3A_481 = arith.addi %mul3A_479, %add3A_480 : i32
      %dma_start3A_482 = arith.constant 0 : i32
      %dma_start3A_483 = tpu.memref_slice %arg7[%add3A_481, %dma_start3A_482] : memref<256x64xf32, #tpu.memory_space<vmem>> -> memref<1x64xf32, #tpu.memory_space<vmem>>
      %dma_start3A_484 = tpu.memref_squeeze %dma_start3A_483 : memref<1x64xf32, #tpu.memory_space<vmem>> -> memref<64xf32, #tpu.memory_space<vmem>>
      %dma_start3A_485 = arith.constant 0 : i32
      %dma_start3A_486 = tpu.memref_slice %arg2[%squeeze3A_477, %dma_start3A_485] : memref<1000000x64xf32, #tpu.memory_space<hbm>> -> memref<1x64xf32, #tpu.memory_space<hbm>>
      %dma_start3A_487 = tpu.memref_squeeze %dma_start3A_486 : memref<1x64xf32, #tpu.memory_space<hbm>> -> memref<64xf32, #tpu.memory_space<hbm>>
      %dma_start3A_488 = arith.constant 0 : i32
      %dma_start3A_489 = tpu.memref_slice %arg7[%add3A_481, %dma_start3A_488] : memref<256x64xf32, #tpu.memory_space<vmem>> -> memref<1x64xf32, #tpu.memory_space<vmem>>
      %dma_start3A_490 = tpu.memref_squeeze %dma_start3A_489 : memref<1x64xf32, #tpu.memory_space<vmem>> -> memref<64xf32, #tpu.memory_space<vmem>>
      %dma_start3A_491 = arith.constant 0 : i32
      %dma_start3A_492 = tpu.memref_slice %arg2[%squeeze3A_477, %dma_start3A_491] : memref<1000000x64xf32, #tpu.memory_space<hbm>> -> memref<1x64xf32, #tpu.memory_space<hbm>>
      %dma_start3A_493 = tpu.memref_squeeze %dma_start3A_492 : memref<1x64xf32, #tpu.memory_space<hbm>> -> memref<64xf32, #tpu.memory_space<hbm>>
      tpu.enqueue_dma source(%dma_start3A_493 : memref<64xf32, #tpu.memory_space<hbm>>) target(%dma_start3A_490 : memref<64xf32, #tpu.memory_space<vmem>>) target_semaphore(%arg13 : memref<!tpu.dma_semaphore, #tpu.memory_space<semaphore_mem>>)
      %slice3A_494 = vector.extract_strided_slice %get3A_279 {offsets = [12], sizes = [1], strides = [1]} : vector<16xi32> to vector<1xi32>
      %squeeze3A_495 = vector.extract %slice3A_494[0] : i32 from vector<1xi32>
      %mul3A_496 = arith.constant 16 : i32
      %mul3A_497 = arith.muli %scan3A_272, %mul3A_496 : i32
      %add3A_498 = arith.constant 12 : i32
      %add3A_499 = arith.addi %mul3A_497, %add3A_498 : i32
      %dma_start3A_500 = arith.constant 0 : i32
      %dma_start3A_501 = tpu.memref_slice %arg7[%add3A_499, %dma_start3A_500] : memref<256x64xf32, #tpu.memory_space<vmem>> -> memref<1x64xf32, #tpu.memory_space<vmem>>
      %dma_start3A_502 = tpu.memref_squeeze %dma_start3A_501 : memref<1x64xf32, #tpu.memory_space<vmem>> -> memref<64xf32, #tpu.memory_space<vmem>>
      %dma_start3A_503 = arith.constant 0 : i32
      %dma_start3A_504 = tpu.memref_slice %arg2[%squeeze3A_495, %dma_start3A_503] : memref<1000000x64xf32, #tpu.memory_space<hbm>> -> memref<1x64xf32, #tpu.memory_space<hbm>>
      %dma_start3A_505 = tpu.memref_squeeze %dma_start3A_504 : memref<1x64xf32, #tpu.memory_space<hbm>> -> memref<64xf32, #tpu.memory_space<hbm>>
      %dma_start3A_506 = arith.constant 0 : i32
      %dma_start3A_507 = tpu.memref_slice %arg7[%add3A_499, %dma_start3A_506] : memref<256x64xf32, #tpu.memory_space<vmem>> -> memref<1x64xf32, #tpu.memory_space<vmem>>
      %dma_start3A_508 = tpu.memref_squeeze %dma_start3A_507 : memref<1x64xf32, #tpu.memory_space<vmem>> -> memref<64xf32, #tpu.memory_space<vmem>>
      %dma_start3A_509 = arith.constant 0 : i32
      %dma_start3A_510 = tpu.memref_slice %arg2[%squeeze3A_495, %dma_start3A_509] : memref<1000000x64xf32, #tpu.memory_space<hbm>> -> memref<1x64xf32, #tpu.memory_space<hbm>>
      %dma_start3A_511 = tpu.memref_squeeze %dma_start3A_510 : memref<1x64xf32, #tpu.memory_space<hbm>> -> memref<64xf32, #tpu.memory_space<hbm>>
      tpu.enqueue_dma source(%dma_start3A_511 : memref<64xf32, #tpu.memory_space<hbm>>) target(%dma_start3A_508 : memref<64xf32, #tpu.memory_space<vmem>>) target_semaphore(%arg14 : memref<!tpu.dma_semaphore, #tpu.memory_space<semaphore_mem>>)
      %slice3A_512 = vector.extract_strided_slice %get3A_279 {offsets = [13], sizes = [1], strides = [1]} : vector<16xi32> to vector<1xi32>
      %squeeze3A_513 = vector.extract %slice3A_512[0] : i32 from vector<1xi32>
      %mul3A_514 = arith.constant 16 : i32
      %mul3A_515 = arith.muli %scan3A_272, %mul3A_514 : i32
      %add3A_516 = arith.constant 13 : i32
      %add3A_517 = arith.addi %mul3A_515, %add3A_516 : i32
      %dma_start3A_518 = arith.constant 0 : i32
      %dma_start3A_519 = tpu.memref_slice %arg7[%add3A_517, %dma_start3A_518] : memref<256x64xf32, #tpu.memory_space<vmem>> -> memref<1x64xf32, #tpu.memory_space<vmem>>
      %dma_start3A_520 = tpu.memref_squeeze %dma_start3A_519 : memref<1x64xf32, #tpu.memory_space<vmem>> -> memref<64xf32, #tpu.memory_space<vmem>>
      %dma_start3A_521 = arith.constant 0 : i32
      %dma_start3A_522 = tpu.memref_slice %arg2[%squeeze3A_513, %dma_start3A_521] : memref<1000000x64xf32, #tpu.memory_space<hbm>> -> memref<1x64xf32, #tpu.memory_space<hbm>>
      %dma_start3A_523 = tpu.memref_squeeze %dma_start3A_522 : memref<1x64xf32, #tpu.memory_space<hbm>> -> memref<64xf32, #tpu.memory_space<hbm>>
      %dma_start3A_524 = arith.constant 0 : i32
      %dma_start3A_525 = tpu.memref_slice %arg7[%add3A_517, %dma_start3A_524] : memref<256x64xf32, #tpu.memory_space<vmem>> -> memref<1x64xf32, #tpu.memory_space<vmem>>
      %dma_start3A_526 = tpu.memref_squeeze %dma_start3A_525 : memref<1x64xf32, #tpu.memory_space<vmem>> -> memref<64xf32, #tpu.memory_space<vmem>>
      %dma_start3A_527 = arith.constant 0 : i32
      %dma_start3A_528 = tpu.memref_slice %arg2[%squeeze3A_513, %dma_start3A_527] : memref<1000000x64xf32, #tpu.memory_space<hbm>> -> memref<1x64xf32, #tpu.memory_space<hbm>>
      %dma_start3A_529 = tpu.memref_squeeze %dma_start3A_528 : memref<1x64xf32, #tpu.memory_space<hbm>> -> memref<64xf32, #tpu.memory_space<hbm>>
      tpu.enqueue_dma source(%dma_start3A_529 : memref<64xf32, #tpu.memory_space<hbm>>) target(%dma_start3A_526 : memref<64xf32, #tpu.memory_space<vmem>>) target_semaphore(%arg15 : memref<!tpu.dma_semaphore, #tpu.memory_space<semaphore_mem>>)
      %slice3A_530 = vector.extract_strided_slice %get3A_279 {offsets = [14], sizes = [1], strides = [1]} : vector<16xi32> to vector<1xi32>
      %squeeze3A_531 = vector.extract %slice3A_530[0] : i32 from vector<1xi32>
      %mul3A_532 = arith.constant 16 : i32
      %mul3A_533 = arith.muli %scan3A_272, %mul3A_532 : i32
      %add3A_534 = arith.constant 14 : i32
      %add3A_535 = arith.addi %mul3A_533, %add3A_534 : i32
      %dma_start3A_536 = arith.constant 0 : i32
      %dma_start3A_537 = tpu.memref_slice %arg7[%add3A_535, %dma_start3A_536] : memref<256x64xf32, #tpu.memory_space<vmem>> -> memref<1x64xf32, #tpu.memory_space<vmem>>
      %dma_start3A_538 = tpu.memref_squeeze %dma_start3A_537 : memref<1x64xf32, #tpu.memory_space<vmem>> -> memref<64xf32, #tpu.memory_space<vmem>>
      %dma_start3A_539 = arith.constant 0 : i32
      %dma_start3A_540 = tpu.memref_slice %arg2[%squeeze3A_531, %dma_start3A_539] : memref<1000000x64xf32, #tpu.memory_space<hbm>> -> memref<1x64xf32, #tpu.memory_space<hbm>>
      %dma_start3A_541 = tpu.memref_squeeze %dma_start3A_540 : memref<1x64xf32, #tpu.memory_space<hbm>> -> memref<64xf32, #tpu.memory_space<hbm>>
      %dma_start3A_542 = arith.constant 0 : i32
      %dma_start3A_543 = tpu.memref_slice %arg7[%add3A_535, %dma_start3A_542] : memref<256x64xf32, #tpu.memory_space<vmem>> -> memref<1x64xf32, #tpu.memory_space<vmem>>
      %dma_start3A_544 = tpu.memref_squeeze %dma_start3A_543 : memref<1x64xf32, #tpu.memory_space<vmem>> -> memref<64xf32, #tpu.memory_space<vmem>>
      %dma_start3A_545 = arith.constant 0 : i32
      %dma_start3A_546 = tpu.memref_slice %arg2[%squeeze3A_531, %dma_start3A_545] : memref<1000000x64xf32, #tpu.memory_space<hbm>> -> memref<1x64xf32, #tpu.memory_space<hbm>>
      %dma_start3A_547 = tpu.memref_squeeze %dma_start3A_546 : memref<1x64xf32, #tpu.memory_space<hbm>> -> memref<64xf32, #tpu.memory_space<hbm>>
      tpu.enqueue_dma source(%dma_start3A_547 : memref<64xf32, #tpu.memory_space<hbm>>) target(%dma_start3A_544 : memref<64xf32, #tpu.memory_space<vmem>>) target_semaphore(%arg16 : memref<!tpu.dma_semaphore, #tpu.memory_space<semaphore_mem>>)
      %slice3A_548 = vector.extract_strided_slice %get3A_279 {offsets = [15], sizes = [1], strides = [1]} : vector<16xi32> to vector<1xi32>
      %squeeze3A_549 = vector.extract %slice3A_548[0] : i32 from vector<1xi32>
      %mul3A_550 = arith.constant 16 : i32
      %mul3A_551 = arith.muli %scan3A_272, %mul3A_550 : i32
      %add3A_552 = arith.constant 15 : i32
      %add3A_553 = arith.addi %mul3A_551, %add3A_552 : i32
      %dma_start3A_554 = arith.constant 0 : i32
      %dma_start3A_555 = tpu.memref_slice %arg7[%add3A_553, %dma_start3A_554] : memref<256x64xf32, #tpu.memory_space<vmem>> -> memref<1x64xf32, #tpu.memory_space<vmem>>
      %dma_start3A_556 = tpu.memref_squeeze %dma_start3A_555 : memref<1x64xf32, #tpu.memory_space<vmem>> -> memref<64xf32, #tpu.memory_space<vmem>>
      %dma_start3A_557 = arith.constant 0 : i32
      %dma_start3A_558 = tpu.memref_slice %arg2[%squeeze3A_549, %dma_start3A_557] : memref<1000000x64xf32, #tpu.memory_space<hbm>> -> memref<1x64xf32, #tpu.memory_space<hbm>>
      %dma_start3A_559 = tpu.memref_squeeze %dma_start3A_558 : memref<1x64xf32, #tpu.memory_space<hbm>> -> memref<64xf32, #tpu.memory_space<hbm>>
      %dma_start3A_560 = arith.constant 0 : i32
      %dma_start3A_561 = tpu.memref_slice %arg7[%add3A_553, %dma_start3A_560] : memref<256x64xf32, #tpu.memory_space<vmem>> -> memref<1x64xf32, #tpu.memory_space<vmem>>
      %dma_start3A_562 = tpu.memref_squeeze %dma_start3A_561 : memref<1x64xf32, #tpu.memory_space<vmem>> -> memref<64xf32, #tpu.memory_space<vmem>>
      %dma_start3A_563 = arith.constant 0 : i32
      %dma_start3A_564 = tpu.memref_slice %arg2[%squeeze3A_549, %dma_start3A_563] : memref<1000000x64xf32, #tpu.memory_space<hbm>> -> memref<1x64xf32, #tpu.memory_space<hbm>>
      %dma_start3A_565 = tpu.memref_squeeze %dma_start3A_564 : memref<1x64xf32, #tpu.memory_space<hbm>> -> memref<64xf32, #tpu.memory_space<hbm>>
      tpu.enqueue_dma source(%dma_start3A_565 : memref<64xf32, #tpu.memory_space<hbm>>) target(%dma_start3A_562 : memref<64xf32, #tpu.memory_space<vmem>>) target_semaphore(%arg17 : memref<!tpu.dma_semaphore, #tpu.memory_space<semaphore_mem>>)
      %scan3A_566 = arith.constant 0 : i32
      scf.yield %scan3A_566 : i32
    }
    %scan3A_14 = arith.constant 16 : i32
    %dma_wait3A = arith.constant 0 : i32
    %dma_wait3A_15 = tpu.memref_slice %arg4[%add3A_5, %dma_wait3A] : memref<16384x64xf32, #tpu.memory_space<hbm>> -> memref<256x64xf32, #tpu.memory_space<hbm>>
    %dma_wait3A_16 = arith.constant 0 : i32
    %dma_wait3A_17 = tpu.memref_slice %arg4[%add3A_5, %dma_wait3A_16] : memref<16384x64xf32, #tpu.memory_space<hbm>> -> memref<256x64xf32, #tpu.memory_space<hbm>>
    tpu.wait_dma2 semaphore(%arg18 : memref<!tpu.dma_semaphore, #tpu.memory_space<semaphore_mem>>) src(%dma_wait3A_17 : memref<256x64xf32, #tpu.memory_space<hbm>>) dst(%arg8 : memref<256x64xf32, #tpu.memory_space<vmem>>)
    %dma_wait3A_18 = arith.constant 0 : i32
    %dma_wait3A_19 = arith.constant 0 : i32
    %dma_wait3A_20 = tpu.memref_slice %arg7[%dma_wait3A_18, %dma_wait3A_19] : memref<256x64xf32, #tpu.memory_space<vmem>> -> memref<32x64xf32, #tpu.memory_space<vmem>>
    %dma_wait3A_21 = arith.constant 0 : i32
    %dma_wait3A_22 = arith.constant 0 : i32
    %dma_wait3A_23 = tpu.memref_slice %arg4[%dma_wait3A_21, %dma_wait3A_22] : memref<16384x64xf32, #tpu.memory_space<hbm>> -> memref<32x64xf32, #tpu.memory_space<hbm>>
    %dma_wait3A_24 = arith.constant 0 : i32
    %dma_wait3A_25 = arith.constant 0 : i32
    %dma_wait3A_26 = tpu.memref_slice %arg7[%dma_wait3A_24, %dma_wait3A_25] : memref<256x64xf32, #tpu.memory_space<vmem>> -> memref<32x64xf32, #tpu.memory_space<vmem>>
    %dma_wait3A_27 = arith.constant 0 : i32
    %dma_wait3A_28 = arith.constant 0 : i32
    %dma_wait3A_29 = tpu.memref_slice %arg4[%dma_wait3A_27, %dma_wait3A_28] : memref<16384x64xf32, #tpu.memory_space<hbm>> -> memref<32x64xf32, #tpu.memory_space<hbm>>
    tpu.wait_dma2 semaphore(%arg10 : memref<!tpu.dma_semaphore, #tpu.memory_space<semaphore_mem>>) src(%dma_wait3A_29 : memref<32x64xf32, #tpu.memory_space<hbm>>) dst(%dma_wait3A_26 : memref<32x64xf32, #tpu.memory_space<vmem>>)
    %dma_wait3A_30 = arith.constant 0 : i32
    %dma_wait3A_31 = arith.constant 0 : i32
    %dma_wait3A_32 = tpu.memref_slice %arg7[%dma_wait3A_30, %dma_wait3A_31] : memref<256x64xf32, #tpu.memory_space<vmem>> -> memref<32x64xf32, #tpu.memory_space<vmem>>
    %dma_wait3A_33 = arith.constant 0 : i32
    %dma_wait3A_34 = arith.constant 0 : i32
    %dma_wait3A_35 = tpu.memref_slice %arg4[%dma_wait3A_33, %dma_wait3A_34] : memref<16384x64xf32, #tpu.memory_space<hbm>> -> memref<32x64xf32, #tpu.memory_space<hbm>>
    %dma_wait3A_36 = arith.constant 0 : i32
    %dma_wait3A_37 = arith.constant 0 : i32
    %dma_wait3A_38 = tpu.memref_slice %arg7[%dma_wait3A_36, %dma_wait3A_37] : memref<256x64xf32, #tpu.memory_space<vmem>> -> memref<32x64xf32, #tpu.memory_space<vmem>>
    %dma_wait3A_39 = arith.constant 0 : i32
    %dma_wait3A_40 = arith.constant 0 : i32
    %dma_wait3A_41 = tpu.memref_slice %arg4[%dma_wait3A_39, %dma_wait3A_40] : memref<16384x64xf32, #tpu.memory_space<hbm>> -> memref<32x64xf32, #tpu.memory_space<hbm>>
    tpu.wait_dma2 semaphore(%arg11 : memref<!tpu.dma_semaphore, #tpu.memory_space<semaphore_mem>>) src(%dma_wait3A_41 : memref<32x64xf32, #tpu.memory_space<hbm>>) dst(%dma_wait3A_38 : memref<32x64xf32, #tpu.memory_space<vmem>>)
    %dma_wait3A_42 = arith.constant 0 : i32
    %dma_wait3A_43 = arith.constant 0 : i32
    %dma_wait3A_44 = tpu.memref_slice %arg7[%dma_wait3A_42, %dma_wait3A_43] : memref<256x64xf32, #tpu.memory_space<vmem>> -> memref<32x64xf32, #tpu.memory_space<vmem>>
    %dma_wait3A_45 = arith.constant 0 : i32
    %dma_wait3A_46 = arith.constant 0 : i32
    %dma_wait3A_47 = tpu.memref_slice %arg4[%dma_wait3A_45, %dma_wait3A_46] : memref<16384x64xf32, #tpu.memory_space<hbm>> -> memref<32x64xf32, #tpu.memory_space<hbm>>
    %dma_wait3A_48 = arith.constant 0 : i32
    %dma_wait3A_49 = arith.constant 0 : i32
    %dma_wait3A_50 = tpu.memref_slice %arg7[%dma_wait3A_48, %dma_wait3A_49] : memref<256x64xf32, #tpu.memory_space<vmem>> -> memref<32x64xf32, #tpu.memory_space<vmem>>
    %dma_wait3A_51 = arith.constant 0 : i32
    %dma_wait3A_52 = arith.constant 0 : i32
    %dma_wait3A_53 = tpu.memref_slice %arg4[%dma_wait3A_51, %dma_wait3A_52] : memref<16384x64xf32, #tpu.memory_space<hbm>> -> memref<32x64xf32, #tpu.memory_space<hbm>>
    tpu.wait_dma2 semaphore(%arg12 : memref<!tpu.dma_semaphore, #tpu.memory_space<semaphore_mem>>) src(%dma_wait3A_53 : memref<32x64xf32, #tpu.memory_space<hbm>>) dst(%dma_wait3A_50 : memref<32x64xf32, #tpu.memory_space<vmem>>)
    %dma_wait3A_54 = arith.constant 0 : i32
    %dma_wait3A_55 = arith.constant 0 : i32
    %dma_wait3A_56 = tpu.memref_slice %arg7[%dma_wait3A_54, %dma_wait3A_55] : memref<256x64xf32, #tpu.memory_space<vmem>> -> memref<32x64xf32, #tpu.memory_space<vmem>>
    %dma_wait3A_57 = arith.constant 0 : i32
    %dma_wait3A_58 = arith.constant 0 : i32
    %dma_wait3A_59 = tpu.memref_slice %arg4[%dma_wait3A_57, %dma_wait3A_58] : memref<16384x64xf32, #tpu.memory_space<hbm>> -> memref<32x64xf32, #tpu.memory_space<hbm>>
    %dma_wait3A_60 = arith.constant 0 : i32
    %dma_wait3A_61 = arith.constant 0 : i32
    %dma_wait3A_62 = tpu.memref_slice %arg7[%dma_wait3A_60, %dma_wait3A_61] : memref<256x64xf32, #tpu.memory_space<vmem>> -> memref<32x64xf32, #tpu.memory_space<vmem>>
    %dma_wait3A_63 = arith.constant 0 : i32
    %dma_wait3A_64 = arith.constant 0 : i32
    %dma_wait3A_65 = tpu.memref_slice %arg4[%dma_wait3A_63, %dma_wait3A_64] : memref<16384x64xf32, #tpu.memory_space<hbm>> -> memref<32x64xf32, #tpu.memory_space<hbm>>
    tpu.wait_dma2 semaphore(%arg13 : memref<!tpu.dma_semaphore, #tpu.memory_space<semaphore_mem>>) src(%dma_wait3A_65 : memref<32x64xf32, #tpu.memory_space<hbm>>) dst(%dma_wait3A_62 : memref<32x64xf32, #tpu.memory_space<vmem>>)
    %dma_wait3A_66 = arith.constant 0 : i32
    %dma_wait3A_67 = arith.constant 0 : i32
    %dma_wait3A_68 = tpu.memref_slice %arg7[%dma_wait3A_66, %dma_wait3A_67] : memref<256x64xf32, #tpu.memory_space<vmem>> -> memref<32x64xf32, #tpu.memory_space<vmem>>
    %dma_wait3A_69 = arith.constant 0 : i32
    %dma_wait3A_70 = arith.constant 0 : i32
    %dma_wait3A_71 = tpu.memref_slice %arg4[%dma_wait3A_69, %dma_wait3A_70] : memref<16384x64xf32, #tpu.memory_space<hbm>> -> memref<32x64xf32, #tpu.memory_space<hbm>>
    %dma_wait3A_72 = arith.constant 0 : i32
    %dma_wait3A_73 = arith.constant 0 : i32
    %dma_wait3A_74 = tpu.memref_slice %arg7[%dma_wait3A_72, %dma_wait3A_73] : memref<256x64xf32, #tpu.memory_space<vmem>> -> memref<32x64xf32, #tpu.memory_space<vmem>>
    %dma_wait3A_75 = arith.constant 0 : i32
    %dma_wait3A_76 = arith.constant 0 : i32
    %dma_wait3A_77 = tpu.memref_slice %arg4[%dma_wait3A_75, %dma_wait3A_76] : memref<16384x64xf32, #tpu.memory_space<hbm>> -> memref<32x64xf32, #tpu.memory_space<hbm>>
    tpu.wait_dma2 semaphore(%arg14 : memref<!tpu.dma_semaphore, #tpu.memory_space<semaphore_mem>>) src(%dma_wait3A_77 : memref<32x64xf32, #tpu.memory_space<hbm>>) dst(%dma_wait3A_74 : memref<32x64xf32, #tpu.memory_space<vmem>>)
    %dma_wait3A_78 = arith.constant 0 : i32
    %dma_wait3A_79 = arith.constant 0 : i32
    %dma_wait3A_80 = tpu.memref_slice %arg7[%dma_wait3A_78, %dma_wait3A_79] : memref<256x64xf32, #tpu.memory_space<vmem>> -> memref<32x64xf32, #tpu.memory_space<vmem>>
    %dma_wait3A_81 = arith.constant 0 : i32
    %dma_wait3A_82 = arith.constant 0 : i32
    %dma_wait3A_83 = tpu.memref_slice %arg4[%dma_wait3A_81, %dma_wait3A_82] : memref<16384x64xf32, #tpu.memory_space<hbm>> -> memref<32x64xf32, #tpu.memory_space<hbm>>
    %dma_wait3A_84 = arith.constant 0 : i32
    %dma_wait3A_85 = arith.constant 0 : i32
    %dma_wait3A_86 = tpu.memref_slice %arg7[%dma_wait3A_84, %dma_wait3A_85] : memref<256x64xf32, #tpu.memory_space<vmem>> -> memref<32x64xf32, #tpu.memory_space<vmem>>
    %dma_wait3A_87 = arith.constant 0 : i32
    %dma_wait3A_88 = arith.constant 0 : i32
    %dma_wait3A_89 = tpu.memref_slice %arg4[%dma_wait3A_87, %dma_wait3A_88] : memref<16384x64xf32, #tpu.memory_space<hbm>> -> memref<32x64xf32, #tpu.memory_space<hbm>>
    tpu.wait_dma2 semaphore(%arg15 : memref<!tpu.dma_semaphore, #tpu.memory_space<semaphore_mem>>) src(%dma_wait3A_89 : memref<32x64xf32, #tpu.memory_space<hbm>>) dst(%dma_wait3A_86 : memref<32x64xf32, #tpu.memory_space<vmem>>)
    %dma_wait3A_90 = arith.constant 0 : i32
    %dma_wait3A_91 = arith.constant 0 : i32
    %dma_wait3A_92 = tpu.memref_slice %arg7[%dma_wait3A_90, %dma_wait3A_91] : memref<256x64xf32, #tpu.memory_space<vmem>> -> memref<32x64xf32, #tpu.memory_space<vmem>>
    %dma_wait3A_93 = arith.constant 0 : i32
    %dma_wait3A_94 = arith.constant 0 : i32
    %dma_wait3A_95 = tpu.memref_slice %arg4[%dma_wait3A_93, %dma_wait3A_94] : memref<16384x64xf32, #tpu.memory_space<hbm>> -> memref<32x64xf32, #tpu.memory_space<hbm>>
    %dma_wait3A_96 = arith.constant 0 : i32
    %dma_wait3A_97 = arith.constant 0 : i32
    %dma_wait3A_98 = tpu.memref_slice %arg7[%dma_wait3A_96, %dma_wait3A_97] : memref<256x64xf32, #tpu.memory_space<vmem>> -> memref<32x64xf32, #tpu.memory_space<vmem>>
    %dma_wait3A_99 = arith.constant 0 : i32
    %dma_wait3A_100 = arith.constant 0 : i32
    %dma_wait3A_101 = tpu.memref_slice %arg4[%dma_wait3A_99, %dma_wait3A_100] : memref<16384x64xf32, #tpu.memory_space<hbm>> -> memref<32x64xf32, #tpu.memory_space<hbm>>
    tpu.wait_dma2 semaphore(%arg16 : memref<!tpu.dma_semaphore, #tpu.memory_space<semaphore_mem>>) src(%dma_wait3A_101 : memref<32x64xf32, #tpu.memory_space<hbm>>) dst(%dma_wait3A_98 : memref<32x64xf32, #tpu.memory_space<vmem>>)
    %dma_wait3A_102 = arith.constant 0 : i32
    %dma_wait3A_103 = arith.constant 0 : i32
    %dma_wait3A_104 = tpu.memref_slice %arg7[%dma_wait3A_102, %dma_wait3A_103] : memref<256x64xf32, #tpu.memory_space<vmem>> -> memref<32x64xf32, #tpu.memory_space<vmem>>
    %dma_wait3A_105 = arith.constant 0 : i32
    %dma_wait3A_106 = arith.constant 0 : i32
    %dma_wait3A_107 = tpu.memref_slice %arg4[%dma_wait3A_105, %dma_wait3A_106] : memref<16384x64xf32, #tpu.memory_space<hbm>> -> memref<32x64xf32, #tpu.memory_space<hbm>>
    %dma_wait3A_108 = arith.constant 0 : i32
    %dma_wait3A_109 = arith.constant 0 : i32
    %dma_wait3A_110 = tpu.memref_slice %arg7[%dma_wait3A_108, %dma_wait3A_109] : memref<256x64xf32, #tpu.memory_space<vmem>> -> memref<32x64xf32, #tpu.memory_space<vmem>>
    %dma_wait3A_111 = arith.constant 0 : i32
    %dma_wait3A_112 = arith.constant 0 : i32
    %dma_wait3A_113 = tpu.memref_slice %arg4[%dma_wait3A_111, %dma_wait3A_112] : memref<16384x64xf32, #tpu.memory_space<hbm>> -> memref<32x64xf32, #tpu.memory_space<hbm>>
    tpu.wait_dma2 semaphore(%arg17 : memref<!tpu.dma_semaphore, #tpu.memory_space<semaphore_mem>>) src(%dma_wait3A_113 : memref<32x64xf32, #tpu.memory_space<hbm>>) dst(%dma_wait3A_110 : memref<32x64xf32, #tpu.memory_space<vmem>>)
    %scan3A_114 = arith.constant 0 : i32
    %scan3A_115 = arith.constant 256 : i32
    %scan3A_116 = arith.addi %scan3A_114, %scan3A_115 : i32
    %scan3A_117 = arith.constant 1 : i32
    %scan3A_118 = scf.for %scan3A_272 = %scan3A_114 to %scan3A_116 step %scan3A_117 iter_args(%scan3A_273 = %broadcast_in_dim3A_3) -> (vector<16xf32>)  : i32 {
      %get3A = arith.index_cast %scan3A_272 : i32 to index
      %get3A_274 = arith.constant 0 : index
      %get3A_275 = tpu.vector_load %arg8[%get3A, %get3A_274] {strides = array<i32>} : memref<256x64xf32, #tpu.memory_space<vmem>>, vector<1x16xf32>,
      %get3A_276 = vector.shape_cast %get3A_275 : vector<1x16xf32> to vector<16xf32>
      %get3A_277 = arith.index_cast %scan3A_272 : i32 to index
      %get3A_278 = arith.constant 0 : index
      %get3A_279 = tpu.vector_load %arg7[%get3A_277, %get3A_278] {strides = array<i32>} : memref<256x64xf32, #tpu.memory_space<vmem>>, vector<1x16xf32>,
      %get3A_280 = vector.shape_cast %get3A_279 : vector<1x16xf32> to vector<16xf32>
      %sub3A = arith.subf %get3A_276, %get3A_280 : vector<16xf32>
      %mul3A_281 = arith.mulf %sub3A, %sub3A : vector<16xf32>
      %add3A_282 = arith.addf %scan3A_273, %mul3A_281 : vector<16xf32>
      %get3A_283 = arith.index_cast %scan3A_272 : i32 to index
      %get3A_284 = arith.constant 16 : index
      %get3A_285 = tpu.vector_load %arg8[%get3A_283, %get3A_284] {strides = array<i32>} : memref<256x64xf32, #tpu.memory_space<vmem>>, vector<1x16xf32>,
      %get3A_286 = vector.shape_cast %get3A_285 : vector<1x16xf32> to vector<16xf32>
      %get3A_287 = arith.index_cast %scan3A_272 : i32 to index
      %get3A_288 = arith.constant 16 : index
      %get3A_289 = tpu.vector_load %arg7[%get3A_287, %get3A_288] {strides = array<i32>} : memref<256x64xf32, #tpu.memory_space<vmem>>, vector<1x16xf32>,
      %get3A_290 = vector.shape_cast %get3A_289 : vector<1x16xf32> to vector<16xf32>
      %sub3A_291 = arith.subf %get3A_286, %get3A_290 : vector<16xf32>
      %mul3A_292 = arith.mulf %sub3A_291, %sub3A_291 : vector<16xf32>
      %add3A_293 = arith.addf %add3A_282, %mul3A_292 : vector<16xf32>
      %get3A_294 = arith.index_cast %scan3A_272 : i32 to index
      %get3A_295 = arith.constant 32 : index
      %get3A_296 = tpu.vector_load %arg8[%get3A_294, %get3A_295] {strides = array<i32>} : memref<256x64xf32, #tpu.memory_space<vmem>>, vector<1x16xf32>,
      %get3A_297 = vector.shape_cast %get3A_296 : vector<1x16xf32> to vector<16xf32>
      %get3A_298 = arith.index_cast %scan3A_272 : i32 to index
      %get3A_299 = arith.constant 32 : index
      %get3A_300 = tpu.vector_load %arg7[%get3A_298, %get3A_299] {strides = array<i32>} : memref<256x64xf32, #tpu.memory_space<vmem>>, vector<1x16xf32>,
      %get3A_301 = vector.shape_cast %get3A_300 : vector<1x16xf32> to vector<16xf32>
      %sub3A_302 = arith.subf %get3A_297, %get3A_301 : vector<16xf32>
      %mul3A_303 = arith.mulf %sub3A_302, %sub3A_302 : vector<16xf32>
      %add3A_304 = arith.addf %add3A_293, %mul3A_303 : vector<16xf32>
      %get3A_305 = arith.index_cast %scan3A_272 : i32 to index
      %get3A_306 = arith.constant 48 : index
      %get3A_307 = tpu.vector_load %arg8[%get3A_305, %get3A_306] {strides = array<i32>} : memref<256x64xf32, #tpu.memory_space<vmem>>, vector<1x16xf32>,
      %get3A_308 = vector.shape_cast %get3A_307 : vector<1x16xf32> to vector<16xf32>
      %get3A_309 = arith.index_cast %scan3A_272 : i32 to index
      %get3A_310 = arith.constant 48 : index
      %get3A_311 = tpu.vector_load %arg7[%get3A_309, %get3A_310] {strides = array<i32>} : memref<256x64xf32, #tpu.memory_space<vmem>>, vector<1x16xf32>,
      %get3A_312 = vector.shape_cast %get3A_311 : vector<1x16xf32> to vector<16xf32>
      %sub3A_313 = arith.subf %get3A_308, %get3A_312 : vector<16xf32>
      %mul3A_314 = arith.mulf %sub3A_313, %sub3A_313 : vector<16xf32>
      %add3A_315 = arith.addf %add3A_304, %mul3A_314 : vector<16xf32>
      scf.yield %add3A_315 : vector<16xf32>
    }
    %scan3A_119 = arith.constant 256 : i32
    %add3A_120 = arith.constant 256 : i32
    %add3A_121 = arith.addi %mul3A_2, %add3A_120 : i32
    %dma_start3A_122 = arith.constant 0 : i32
    %dma_start3A_123 = tpu.memref_slice %arg4[%add3A_121, %dma_start3A_122] : memref<16384x64xf32, #tpu.memory_space<hbm>> -> memref<256x64xf32, #tpu.memory_space<hbm>>
    %dma_start3A_124 = arith.constant 0 : i32
    %dma_start3A_125 = tpu.memref_slice %arg4[%add3A_121, %dma_start3A_124] : memref<16384x64xf32, #tpu.memory_space<hbm>> -> memref<256x64xf32, #tpu.memory_space<hbm>>
    tpu.enqueue_dma source(%dma_start3A_125 : memref<256x64xf32, #tpu.memory_space<hbm>>) target(%arg8 : memref<256x64xf32, #tpu.memory_space<vmem>>) target_semaphore(%arg18 : memref<!tpu.dma_semaphore, #tpu.memory_space<semaphore_mem>>)
    %scan3A_126 = arith.constant 0 : i32
    %scan3A_127 = arith.constant 0 : i32
    %scan3A_128 = arith.constant 16 : i32
    %scan3A_129 = arith.addi %scan3A_127, %scan3A_128 : i32
    %scan3A_130 = arith.constant 1 : i32
    %scan3A_131 = scf.for %scan3A_272 = %scan3A_127 to %scan3A_129 step %scan3A_130 iter_args(%scan3A_273 = %scan3A_126) -> (i32)  : i32 {
      %mul3A_274 = arith.constant 16 : i32
      %mul3A_275 = arith.muli %scan3A_272, %mul3A_274 : i32
      %add3A_276 = arith.constant 256 : i32
      %add3A_277 = arith.addi %add3A_276, %mul3A_275 : i32
      %get3A = arith.index_cast %add3A_277 : i32 to index
      %get3A_278 = tpu.vector_load %arg6[%get3A] {strides = array<i32>} : memref<512xi32, #tpu.memory_space<vmem>>, vector<16xi32>,
      %get3A_279 = vector.shape_cast %get3A_278 : vector<16xi32> to vector<16xi32>
      %slice3A = vector.extract_strided_slice %get3A_279 {offsets = [0], sizes = [1], strides = [1]} : vector<16xi32> to vector<1xi32>
      %squeeze3A = vector.extract %slice3A[0] : i32 from vector<1xi32>
      %mul3A_280 = arith.constant 16 : i32
      %mul3A_281 = arith.muli %scan3A_272, %mul3A_280 : i32
      %add3A_282 = arith.constant 0 : i32
      %add3A_283 = arith.addi %mul3A_281, %add3A_282 : i32
      %dma_start3A_284 = arith.constant 0 : i32
      %dma_start3A_285 = tpu.memref_slice %arg7[%add3A_283, %dma_start3A_284] : memref<256x64xf32, #tpu.memory_space<vmem>> -> memref<1x64xf32, #tpu.memory_space<vmem>>
      %dma_start3A_286 = tpu.memref_squeeze %dma_start3A_285 : memref<1x64xf32, #tpu.memory_space<vmem>> -> memref<64xf32, #tpu.memory_space<vmem>>
      %dma_start3A_287 = arith.constant 0 : i32
      %dma_start3A_288 = tpu.memref_slice %arg2[%squeeze3A, %dma_start3A_287] : memref<1000000x64xf32, #tpu.memory_space<hbm>> -> memref<1x64xf32, #tpu.memory_space<hbm>>
      %dma_start3A_289 = tpu.memref_squeeze %dma_start3A_288 : memref<1x64xf32, #tpu.memory_space<hbm>> -> memref<64xf32, #tpu.memory_space<hbm>>
      %dma_start3A_290 = arith.constant 0 : i32
      %dma_start3A_291 = tpu.memref_slice %arg7[%add3A_283, %dma_start3A_290] : memref<256x64xf32, #tpu.memory_space<vmem>> -> memref<1x64xf32, #tpu.memory_space<vmem>>
      %dma_start3A_292 = tpu.memref_squeeze %dma_start3A_291 : memref<1x64xf32, #tpu.memory_space<vmem>> -> memref<64xf32, #tpu.memory_space<vmem>>
      %dma_start3A_293 = arith.constant 0 : i32
      %dma_start3A_294 = tpu.memref_slice %arg2[%squeeze3A, %dma_start3A_293] : memref<1000000x64xf32, #tpu.memory_space<hbm>> -> memref<1x64xf32, #tpu.memory_space<hbm>>
      %dma_start3A_295 = tpu.memref_squeeze %dma_start3A_294 : memref<1x64xf32, #tpu.memory_space<hbm>> -> memref<64xf32, #tpu.memory_space<hbm>>
      tpu.enqueue_dma source(%dma_start3A_295 : memref<64xf32, #tpu.memory_space<hbm>>) target(%dma_start3A_292 : memref<64xf32, #tpu.memory_space<vmem>>) target_semaphore(%arg10 : memref<!tpu.dma_semaphore, #tpu.memory_space<semaphore_mem>>)
      %slice3A_296 = vector.extract_strided_slice %get3A_279 {offsets = [1], sizes = [1], strides = [1]} : vector<16xi32> to vector<1xi32>
      %squeeze3A_297 = vector.extract %slice3A_296[0] : i32 from vector<1xi32>
      %mul3A_298 = arith.constant 16 : i32
      %mul3A_299 = arith.muli %scan3A_272, %mul3A_298 : i32
      %add3A_300 = arith.constant 1 : i32
      %add3A_301 = arith.addi %mul3A_299, %add3A_300 : i32
      %dma_start3A_302 = arith.constant 0 : i32
      %dma_start3A_303 = tpu.memref_slice %arg7[%add3A_301, %dma_start3A_302] : memref<256x64xf32, #tpu.memory_space<vmem>> -> memref<1x64xf32, #tpu.memory_space<vmem>>
      %dma_start3A_304 = tpu.memref_squeeze %dma_start3A_303 : memref<1x64xf32, #tpu.memory_space<vmem>> -> memref<64xf32, #tpu.memory_space<vmem>>
      %dma_start3A_305 = arith.constant 0 : i32
      %dma_start3A_306 = tpu.memref_slice %arg2[%squeeze3A_297, %dma_start3A_305] : memref<1000000x64xf32, #tpu.memory_space<hbm>> -> memref<1x64xf32, #tpu.memory_space<hbm>>
      %dma_start3A_307 = tpu.memref_squeeze %dma_start3A_306 : memref<1x64xf32, #tpu.memory_space<hbm>> -> memref<64xf32, #tpu.memory_space<hbm>>
      %dma_start3A_308 = arith.constant 0 : i32
      %dma_start3A_309 = tpu.memref_slice %arg7[%add3A_301, %dma_start3A_308] : memref<256x64xf32, #tpu.memory_space<vmem>> -> memref<1x64xf32, #tpu.memory_space<vmem>>
      %dma_start3A_310 = tpu.memref_squeeze %dma_start3A_309 : memref<1x64xf32, #tpu.memory_space<vmem>> -> memref<64xf32, #tpu.memory_space<vmem>>
      %dma_start3A_311 = arith.constant 0 : i32
      %dma_start3A_312 = tpu.memref_slice %arg2[%squeeze3A_297, %dma_start3A_311] : memref<1000000x64xf32, #tpu.memory_space<hbm>> -> memref<1x64xf32, #tpu.memory_space<hbm>>
      %dma_start3A_313 = tpu.memref_squeeze %dma_start3A_312 : memref<1x64xf32, #tpu.memory_space<hbm>> -> memref<64xf32, #tpu.memory_space<hbm>>
      tpu.enqueue_dma source(%dma_start3A_313 : memref<64xf32, #tpu.memory_space<hbm>>) target(%dma_start3A_310 : memref<64xf32, #tpu.memory_space<vmem>>) target_semaphore(%arg11 : memref<!tpu.dma_semaphore, #tpu.memory_space<semaphore_mem>>)
      %slice3A_314 = vector.extract_strided_slice %get3A_279 {offsets = [2], sizes = [1], strides = [1]} : vector<16xi32> to vector<1xi32>
      %squeeze3A_315 = vector.extract %slice3A_314[0] : i32 from vector<1xi32>
      %mul3A_316 = arith.constant 16 : i32
      %mul3A_317 = arith.muli %scan3A_272, %mul3A_316 : i32
      %add3A_318 = arith.constant 2 : i32
      %add3A_319 = arith.addi %mul3A_317, %add3A_318 : i32
      %dma_start3A_320 = arith.constant 0 : i32
      %dma_start3A_321 = tpu.memref_slice %arg7[%add3A_319, %dma_start3A_320] : memref<256x64xf32, #tpu.memory_space<vmem>> -> memref<1x64xf32, #tpu.memory_space<vmem>>
      %dma_start3A_322 = tpu.memref_squeeze %dma_start3A_321 : memref<1x64xf32, #tpu.memory_space<vmem>> -> memref<64xf32, #tpu.memory_space<vmem>>
      %dma_start3A_323 = arith.constant 0 : i32
      %dma_start3A_324 = tpu.memref_slice %arg2[%squeeze3A_315, %dma_start3A_323] : memref<1000000x64xf32, #tpu.memory_space<hbm>> -> memref<1x64xf32, #tpu.memory_space<hbm>>
      %dma_start3A_325 = tpu.memref_squeeze %dma_start3A_324 : memref<1x64xf32, #tpu.memory_space<hbm>> -> memref<64xf32, #tpu.memory_space<hbm>>
      %dma_start3A_326 = arith.constant 0 : i32
      %dma_start3A_327 = tpu.memref_slice %arg7[%add3A_319, %dma_start3A_326] : memref<256x64xf32, #tpu.memory_space<vmem>> -> memref<1x64xf32, #tpu.memory_space<vmem>>
      %dma_start3A_328 = tpu.memref_squeeze %dma_start3A_327 : memref<1x64xf32, #tpu.memory_space<vmem>> -> memref<64xf32, #tpu.memory_space<vmem>>
      %dma_start3A_329 = arith.constant 0 : i32
      %dma_start3A_330 = tpu.memref_slice %arg2[%squeeze3A_315, %dma_start3A_329] : memref<1000000x64xf32, #tpu.memory_space<hbm>> -> memref<1x64xf32, #tpu.memory_space<hbm>>
      %dma_start3A_331 = tpu.memref_squeeze %dma_start3A_330 : memref<1x64xf32, #tpu.memory_space<hbm>> -> memref<64xf32, #tpu.memory_space<hbm>>
      tpu.enqueue_dma source(%dma_start3A_331 : memref<64xf32, #tpu.memory_space<hbm>>) target(%dma_start3A_328 : memref<64xf32, #tpu.memory_space<vmem>>) target_semaphore(%arg12 : memref<!tpu.dma_semaphore, #tpu.memory_space<semaphore_mem>>)
      %slice3A_332 = vector.extract_strided_slice %get3A_279 {offsets = [3], sizes = [1], strides = [1]} : vector<16xi32> to vector<1xi32>
      %squeeze3A_333 = vector.extract %slice3A_332[0] : i32 from vector<1xi32>
      %mul3A_334 = arith.constant 16 : i32
      %mul3A_335 = arith.muli %scan3A_272, %mul3A_334 : i32
      %add3A_336 = arith.constant 3 : i32
      %add3A_337 = arith.addi %mul3A_335, %add3A_336 : i32
      %dma_start3A_338 = arith.constant 0 : i32
      %dma_start3A_339 = tpu.memref_slice %arg7[%add3A_337, %dma_start3A_338] : memref<256x64xf32, #tpu.memory_space<vmem>> -> memref<1x64xf32, #tpu.memory_space<vmem>>
      %dma_start3A_340 = tpu.memref_squeeze %dma_start3A_339 : memref<1x64xf32, #tpu.memory_space<vmem>> -> memref<64xf32, #tpu.memory_space<vmem>>
      %dma_start3A_341 = arith.constant 0 : i32
      %dma_start3A_342 = tpu.memref_slice %arg2[%squeeze3A_333, %dma_start3A_341] : memref<1000000x64xf32, #tpu.memory_space<hbm>> -> memref<1x64xf32, #tpu.memory_space<hbm>>
      %dma_start3A_343 = tpu.memref_squeeze %dma_start3A_342 : memref<1x64xf32, #tpu.memory_space<hbm>> -> memref<64xf32, #tpu.memory_space<hbm>>
      %dma_start3A_344 = arith.constant 0 : i32
      %dma_start3A_345 = tpu.memref_slice %arg7[%add3A_337, %dma_start3A_344] : memref<256x64xf32, #tpu.memory_space<vmem>> -> memref<1x64xf32, #tpu.memory_space<vmem>>
      %dma_start3A_346 = tpu.memref_squeeze %dma_start3A_345 : memref<1x64xf32, #tpu.memory_space<vmem>> -> memref<64xf32, #tpu.memory_space<vmem>>
      %dma_start3A_347 = arith.constant 0 : i32
      %dma_start3A_348 = tpu.memref_slice %arg2[%squeeze3A_333, %dma_start3A_347] : memref<1000000x64xf32, #tpu.memory_space<hbm>> -> memref<1x64xf32, #tpu.memory_space<hbm>>
      %dma_start3A_349 = tpu.memref_squeeze %dma_start3A_348 : memref<1x64xf32, #tpu.memory_space<hbm>> -> memref<64xf32, #tpu.memory_space<hbm>>
      tpu.enqueue_dma source(%dma_start3A_349 : memref<64xf32, #tpu.memory_space<hbm>>) target(%dma_start3A_346 : memref<64xf32, #tpu.memory_space<vmem>>) target_semaphore(%arg13 : memref<!tpu.dma_semaphore, #tpu.memory_space<semaphore_mem>>)
      %slice3A_350 = vector.extract_strided_slice %get3A_279 {offsets = [4], sizes = [1], strides = [1]} : vector<16xi32> to vector<1xi32>
      %squeeze3A_351 = vector.extract %slice3A_350[0] : i32 from vector<1xi32>
      %mul3A_352 = arith.constant 16 : i32
      %mul3A_353 = arith.muli %scan3A_272, %mul3A_352 : i32
      %add3A_354 = arith.constant 4 : i32
      %add3A_355 = arith.addi %mul3A_353, %add3A_354 : i32
      %dma_start3A_356 = arith.constant 0 : i32
      %dma_start3A_357 = tpu.memref_slice %arg7[%add3A_355, %dma_start3A_356] : memref<256x64xf32, #tpu.memory_space<vmem>> -> memref<1x64xf32, #tpu.memory_space<vmem>>
      %dma_start3A_358 = tpu.memref_squeeze %dma_start3A_357 : memref<1x64xf32, #tpu.memory_space<vmem>> -> memref<64xf32, #tpu.memory_space<vmem>>
      %dma_start3A_359 = arith.constant 0 : i32
      %dma_start3A_360 = tpu.memref_slice %arg2[%squeeze3A_351, %dma_start3A_359] : memref<1000000x64xf32, #tpu.memory_space<hbm>> -> memref<1x64xf32, #tpu.memory_space<hbm>>
      %dma_start3A_361 = tpu.memref_squeeze %dma_start3A_360 : memref<1x64xf32, #tpu.memory_space<hbm>> -> memref<64xf32, #tpu.memory_space<hbm>>
      %dma_start3A_362 = arith.constant 0 : i32
      %dma_start3A_363 = tpu.memref_slice %arg7[%add3A_355, %dma_start3A_362] : memref<256x64xf32, #tpu.memory_space<vmem>> -> memref<1x64xf32, #tpu.memory_space<vmem>>
      %dma_start3A_364 = tpu.memref_squeeze %dma_start3A_363 : memref<1x64xf32, #tpu.memory_space<vmem>> -> memref<64xf32, #tpu.memory_space<vmem>>
      %dma_start3A_365 = arith.constant 0 : i32
      %dma_start3A_366 = tpu.memref_slice %arg2[%squeeze3A_351, %dma_start3A_365] : memref<1000000x64xf32, #tpu.memory_space<hbm>> -> memref<1x64xf32, #tpu.memory_space<hbm>>
      %dma_start3A_367 = tpu.memref_squeeze %dma_start3A_366 : memref<1x64xf32, #tpu.memory_space<hbm>> -> memref<64xf32, #tpu.memory_space<hbm>>
      tpu.enqueue_dma source(%dma_start3A_367 : memref<64xf32, #tpu.memory_space<hbm>>) target(%dma_start3A_364 : memref<64xf32, #tpu.memory_space<vmem>>) target_semaphore(%arg14 : memref<!tpu.dma_semaphore, #tpu.memory_space<semaphore_mem>>)
      %slice3A_368 = vector.extract_strided_slice %get3A_279 {offsets = [5], sizes = [1], strides = [1]} : vector<16xi32> to vector<1xi32>
      %squeeze3A_369 = vector.extract %slice3A_368[0] : i32 from vector<1xi32>
      %mul3A_370 = arith.constant 16 : i32
      %mul3A_371 = arith.muli %scan3A_272, %mul3A_370 : i32
      %add3A_372 = arith.constant 5 : i32
      %add3A_373 = arith.addi %mul3A_371, %add3A_372 : i32
      %dma_start3A_374 = arith.constant 0 : i32
      %dma_start3A_375 = tpu.memref_slice %arg7[%add3A_373, %dma_start3A_374] : memref<256x64xf32, #tpu.memory_space<vmem>> -> memref<1x64xf32, #tpu.memory_space<vmem>>
      %dma_start3A_376 = tpu.memref_squeeze %dma_start3A_375 : memref<1x64xf32, #tpu.memory_space<vmem>> -> memref<64xf32, #tpu.memory_space<vmem>>
      %dma_start3A_377 = arith.constant 0 : i32
      %dma_start3A_378 = tpu.memref_slice %arg2[%squeeze3A_369, %dma_start3A_377] : memref<1000000x64xf32, #tpu.memory_space<hbm>> -> memref<1x64xf32, #tpu.memory_space<hbm>>
      %dma_start3A_379 = tpu.memref_squeeze %dma_start3A_378 : memref<1x64xf32, #tpu.memory_space<hbm>> -> memref<64xf32, #tpu.memory_space<hbm>>
      %dma_start3A_380 = arith.constant 0 : i32
      %dma_start3A_381 = tpu.memref_slice %arg7[%add3A_373, %dma_start3A_380] : memref<256x64xf32, #tpu.memory_space<vmem>> -> memref<1x64xf32, #tpu.memory_space<vmem>>
      %dma_start3A_382 = tpu.memref_squeeze %dma_start3A_381 : memref<1x64xf32, #tpu.memory_space<vmem>> -> memref<64xf32, #tpu.memory_space<vmem>>
      %dma_start3A_383 = arith.constant 0 : i32
      %dma_start3A_384 = tpu.memref_slice %arg2[%squeeze3A_369, %dma_start3A_383] : memref<1000000x64xf32, #tpu.memory_space<hbm>> -> memref<1x64xf32, #tpu.memory_space<hbm>>
      %dma_start3A_385 = tpu.memref_squeeze %dma_start3A_384 : memref<1x64xf32, #tpu.memory_space<hbm>> -> memref<64xf32, #tpu.memory_space<hbm>>
      tpu.enqueue_dma source(%dma_start3A_385 : memref<64xf32, #tpu.memory_space<hbm>>) target(%dma_start3A_382 : memref<64xf32, #tpu.memory_space<vmem>>) target_semaphore(%arg15 : memref<!tpu.dma_semaphore, #tpu.memory_space<semaphore_mem>>)
      %slice3A_386 = vector.extract_strided_slice %get3A_279 {offsets = [6], sizes = [1], strides = [1]} : vector<16xi32> to vector<1xi32>
      %squeeze3A_387 = vector.extract %slice3A_386[0] : i32 from vector<1xi32>
      %mul3A_388 = arith.constant 16 : i32
      %mul3A_389 = arith.muli %scan3A_272, %mul3A_388 : i32
      %add3A_390 = arith.constant 6 : i32
      %add3A_391 = arith.addi %mul3A_389, %add3A_390 : i32
      %dma_start3A_392 = arith.constant 0 : i32
      %dma_start3A_393 = tpu.memref_slice %arg7[%add3A_391, %dma_start3A_392] : memref<256x64xf32, #tpu.memory_space<vmem>> -> memref<1x64xf32, #tpu.memory_space<vmem>>
      %dma_start3A_394 = tpu.memref_squeeze %dma_start3A_393 : memref<1x64xf32, #tpu.memory_space<vmem>> -> memref<64xf32, #tpu.memory_space<vmem>>
      %dma_start3A_395 = arith.constant 0 : i32
      %dma_start3A_396 = tpu.memref_slice %arg2[%squeeze3A_387, %dma_start3A_395] : memref<1000000x64xf32, #tpu.memory_space<hbm>> -> memref<1x64xf32, #tpu.memory_space<hbm>>
      %dma_start3A_397 = tpu.memref_squeeze %dma_start3A_396 : memref<1x64xf32, #tpu.memory_space<hbm>> -> memref<64xf32, #tpu.memory_space<hbm>>
      %dma_start3A_398 = arith.constant 0 : i32
      %dma_start3A_399 = tpu.memref_slice %arg7[%add3A_391, %dma_start3A_398] : memref<256x64xf32, #tpu.memory_space<vmem>> -> memref<1x64xf32, #tpu.memory_space<vmem>>
      %dma_start3A_400 = tpu.memref_squeeze %dma_start3A_399 : memref<1x64xf32, #tpu.memory_space<vmem>> -> memref<64xf32, #tpu.memory_space<vmem>>
      %dma_start3A_401 = arith.constant 0 : i32
      %dma_start3A_402 = tpu.memref_slice %arg2[%squeeze3A_387, %dma_start3A_401] : memref<1000000x64xf32, #tpu.memory_space<hbm>> -> memref<1x64xf32, #tpu.memory_space<hbm>>
      %dma_start3A_403 = tpu.memref_squeeze %dma_start3A_402 : memref<1x64xf32, #tpu.memory_space<hbm>> -> memref<64xf32, #tpu.memory_space<hbm>>
      tpu.enqueue_dma source(%dma_start3A_403 : memref<64xf32, #tpu.memory_space<hbm>>) target(%dma_start3A_400 : memref<64xf32, #tpu.memory_space<vmem>>) target_semaphore(%arg16 : memref<!tpu.dma_semaphore, #tpu.memory_space<semaphore_mem>>)
      %slice3A_404 = vector.extract_strided_slice %get3A_279 {offsets = [7], sizes = [1], strides = [1]} : vector<16xi32> to vector<1xi32>
      %squeeze3A_405 = vector.extract %slice3A_404[0] : i32 from vector<1xi32>
      %mul3A_406 = arith.constant 16 : i32
      %mul3A_407 = arith.muli %scan3A_272, %mul3A_406 : i32
      %add3A_408 = arith.constant 7 : i32
      %add3A_409 = arith.addi %mul3A_407, %add3A_408 : i32
      %dma_start3A_410 = arith.constant 0 : i32
      %dma_start3A_411 = tpu.memref_slice %arg7[%add3A_409, %dma_start3A_410] : memref<256x64xf32, #tpu.memory_space<vmem>> -> memref<1x64xf32, #tpu.memory_space<vmem>>
      %dma_start3A_412 = tpu.memref_squeeze %dma_start3A_411 : memref<1x64xf32, #tpu.memory_space<vmem>> -> memref<64xf32, #tpu.memory_space<vmem>>
      %dma_start3A_413 = arith.constant 0 : i32
      %dma_start3A_414 = tpu.memref_slice %arg2[%squeeze3A_405, %dma_start3A_413] : memref<1000000x64xf32, #tpu.memory_space<hbm>> -> memref<1x64xf32, #tpu.memory_space<hbm>>
      %dma_start3A_415 = tpu.memref_squeeze %dma_start3A_414 : memref<1x64xf32, #tpu.memory_space<hbm>> -> memref<64xf32, #tpu.memory_space<hbm>>
      %dma_start3A_416 = arith.constant 0 : i32
      %dma_start3A_417 = tpu.memref_slice %arg7[%add3A_409, %dma_start3A_416] : memref<256x64xf32, #tpu.memory_space<vmem>> -> memref<1x64xf32, #tpu.memory_space<vmem>>
      %dma_start3A_418 = tpu.memref_squeeze %dma_start3A_417 : memref<1x64xf32, #tpu.memory_space<vmem>> -> memref<64xf32, #tpu.memory_space<vmem>>
      %dma_start3A_419 = arith.constant 0 : i32
      %dma_start3A_420 = tpu.memref_slice %arg2[%squeeze3A_405, %dma_start3A_419] : memref<1000000x64xf32, #tpu.memory_space<hbm>> -> memref<1x64xf32, #tpu.memory_space<hbm>>
      %dma_start3A_421 = tpu.memref_squeeze %dma_start3A_420 : memref<1x64xf32, #tpu.memory_space<hbm>> -> memref<64xf32, #tpu.memory_space<hbm>>
      tpu.enqueue_dma source(%dma_start3A_421 : memref<64xf32, #tpu.memory_space<hbm>>) target(%dma_start3A_418 : memref<64xf32, #tpu.memory_space<vmem>>) target_semaphore(%arg17 : memref<!tpu.dma_semaphore, #tpu.memory_space<semaphore_mem>>)
      %slice3A_422 = vector.extract_strided_slice %get3A_279 {offsets = [8], sizes = [1], strides = [1]} : vector<16xi32> to vector<1xi32>
      %squeeze3A_423 = vector.extract %slice3A_422[0] : i32 from vector<1xi32>
      %mul3A_424 = arith.constant 16 : i32
      %mul3A_425 = arith.muli %scan3A_272, %mul3A_424 : i32
      %add3A_426 = arith.constant 8 : i32
      %add3A_427 = arith.addi %mul3A_425, %add3A_426 : i32
      %dma_start3A_428 = arith.constant 0 : i32
      %dma_start3A_429 = tpu.memref_slice %arg7[%add3A_427, %dma_start3A_428] : memref<256x64xf32, #tpu.memory_space<vmem>> -> memref<1x64xf32, #tpu.memory_space<vmem>>
      %dma_start3A_430 = tpu.memref_squeeze %dma_start3A_429 : memref<1x64xf32, #tpu.memory_space<vmem>> -> memref<64xf32, #tpu.memory_space<vmem>>
      %dma_start3A_431 = arith.constant 0 : i32
      %dma_start3A_432 = tpu.memref_slice %arg2[%squeeze3A_423, %dma_start3A_431] : memref<1000000x64xf32, #tpu.memory_space<hbm>> -> memref<1x64xf32, #tpu.memory_space<hbm>>
      %dma_start3A_433 = tpu.memref_squeeze %dma_start3A_432 : memref<1x64xf32, #tpu.memory_space<hbm>> -> memref<64xf32, #tpu.memory_space<hbm>>
      %dma_start3A_434 = arith.constant 0 : i32
      %dma_start3A_435 = tpu.memref_slice %arg7[%add3A_427, %dma_start3A_434] : memref<256x64xf32, #tpu.memory_space<vmem>> -> memref<1x64xf32, #tpu.memory_space<vmem>>
      %dma_start3A_436 = tpu.memref_squeeze %dma_start3A_435 : memref<1x64xf32, #tpu.memory_space<vmem>> -> memref<64xf32, #tpu.memory_space<vmem>>
      %dma_start3A_437 = arith.constant 0 : i32
      %dma_start3A_438 = tpu.memref_slice %arg2[%squeeze3A_423, %dma_start3A_437] : memref<1000000x64xf32, #tpu.memory_space<hbm>> -> memref<1x64xf32, #tpu.memory_space<hbm>>
      %dma_start3A_439 = tpu.memref_squeeze %dma_start3A_438 : memref<1x64xf32, #tpu.memory_space<hbm>> -> memref<64xf32, #tpu.memory_space<hbm>>
      tpu.enqueue_dma source(%dma_start3A_439 : memref<64xf32, #tpu.memory_space<hbm>>) target(%dma_start3A_436 : memref<64xf32, #tpu.memory_space<vmem>>) target_semaphore(%arg10 : memref<!tpu.dma_semaphore, #tpu.memory_space<semaphore_mem>>)
      %slice3A_440 = vector.extract_strided_slice %get3A_279 {offsets = [9], sizes = [1], strides = [1]} : vector<16xi32> to vector<1xi32>
      %squeeze3A_441 = vector.extract %slice3A_440[0] : i32 from vector<1xi32>
      %mul3A_442 = arith.constant 16 : i32
      %mul3A_443 = arith.muli %scan3A_272, %mul3A_442 : i32
      %add3A_444 = arith.constant 9 : i32
      %add3A_445 = arith.addi %mul3A_443, %add3A_444 : i32
      %dma_start3A_446 = arith.constant 0 : i32
      %dma_start3A_447 = tpu.memref_slice %arg7[%add3A_445, %dma_start3A_446] : memref<256x64xf32, #tpu.memory_space<vmem>> -> memref<1x64xf32, #tpu.memory_space<vmem>>
      %dma_start3A_448 = tpu.memref_squeeze %dma_start3A_447 : memref<1x64xf32, #tpu.memory_space<vmem>> -> memref<64xf32, #tpu.memory_space<vmem>>
      %dma_start3A_449 = arith.constant 0 : i32
      %dma_start3A_450 = tpu.memref_slice %arg2[%squeeze3A_441, %dma_start3A_449] : memref<1000000x64xf32, #tpu.memory_space<hbm>> -> memref<1x64xf32, #tpu.memory_space<hbm>>
      %dma_start3A_451 = tpu.memref_squeeze %dma_start3A_450 : memref<1x64xf32, #tpu.memory_space<hbm>> -> memref<64xf32, #tpu.memory_space<hbm>>
      %dma_start3A_452 = arith.constant 0 : i32
      %dma_start3A_453 = tpu.memref_slice %arg7[%add3A_445, %dma_start3A_452] : memref<256x64xf32, #tpu.memory_space<vmem>> -> memref<1x64xf32, #tpu.memory_space<vmem>>
      %dma_start3A_454 = tpu.memref_squeeze %dma_start3A_453 : memref<1x64xf32, #tpu.memory_space<vmem>> -> memref<64xf32, #tpu.memory_space<vmem>>
      %dma_start3A_455 = arith.constant 0 : i32
      %dma_start3A_456 = tpu.memref_slice %arg2[%squeeze3A_441, %dma_start3A_455] : memref<1000000x64xf32, #tpu.memory_space<hbm>> -> memref<1x64xf32, #tpu.memory_space<hbm>>
      %dma_start3A_457 = tpu.memref_squeeze %dma_start3A_456 : memref<1x64xf32, #tpu.memory_space<hbm>> -> memref<64xf32, #tpu.memory_space<hbm>>
      tpu.enqueue_dma source(%dma_start3A_457 : memref<64xf32, #tpu.memory_space<hbm>>) target(%dma_start3A_454 : memref<64xf32, #tpu.memory_space<vmem>>) target_semaphore(%arg11 : memref<!tpu.dma_semaphore, #tpu.memory_space<semaphore_mem>>)
      %slice3A_458 = vector.extract_strided_slice %get3A_279 {offsets = [10], sizes = [1], strides = [1]} : vector<16xi32> to vector<1xi32>
      %squeeze3A_459 = vector.extract %slice3A_458[0] : i32 from vector<1xi32>
      %mul3A_460 = arith.constant 16 : i32
      %mul3A_461 = arith.muli %scan3A_272, %mul3A_460 : i32
      %add3A_462 = arith.constant 10 : i32
      %add3A_463 = arith.addi %mul3A_461, %add3A_462 : i32
      %dma_start3A_464 = arith.constant 0 : i32
      %dma_start3A_465 = tpu.memref_slice %arg7[%add3A_463, %dma_start3A_464] : memref<256x64xf32, #tpu.memory_space<vmem>> -> memref<1x64xf32, #tpu.memory_space<vmem>>
      %dma_start3A_466 = tpu.memref_squeeze %dma_start3A_465 : memref<1x64xf32, #tpu.memory_space<vmem>> -> memref<64xf32, #tpu.memory_space<vmem>>
      %dma_start3A_467 = arith.constant 0 : i32
      %dma_start3A_468 = tpu.memref_slice %arg2[%squeeze3A_459, %dma_start3A_467] : memref<1000000x64xf32, #tpu.memory_space<hbm>> -> memref<1x64xf32, #tpu.memory_space<hbm>>
      %dma_start3A_469 = tpu.memref_squeeze %dma_start3A_468 : memref<1x64xf32, #tpu.memory_space<hbm>> -> memref<64xf32, #tpu.memory_space<hbm>>
      %dma_start3A_470 = arith.constant 0 : i32
      %dma_start3A_471 = tpu.memref_slice %arg7[%add3A_463, %dma_start3A_470] : memref<256x64xf32, #tpu.memory_space<vmem>> -> memref<1x64xf32, #tpu.memory_space<vmem>>
      %dma_start3A_472 = tpu.memref_squeeze %dma_start3A_471 : memref<1x64xf32, #tpu.memory_space<vmem>> -> memref<64xf32, #tpu.memory_space<vmem>>
      %dma_start3A_473 = arith.constant 0 : i32
      %dma_start3A_474 = tpu.memref_slice %arg2[%squeeze3A_459, %dma_start3A_473] : memref<1000000x64xf32, #tpu.memory_space<hbm>> -> memref<1x64xf32, #tpu.memory_space<hbm>>
      %dma_start3A_475 = tpu.memref_squeeze %dma_start3A_474 : memref<1x64xf32, #tpu.memory_space<hbm>> -> memref<64xf32, #tpu.memory_space<hbm>>
      tpu.enqueue_dma source(%dma_start3A_475 : memref<64xf32, #tpu.memory_space<hbm>>) target(%dma_start3A_472 : memref<64xf32, #tpu.memory_space<vmem>>) target_semaphore(%arg12 : memref<!tpu.dma_semaphore, #tpu.memory_space<semaphore_mem>>)
      %slice3A_476 = vector.extract_strided_slice %get3A_279 {offsets = [11], sizes = [1], strides = [1]} : vector<16xi32> to vector<1xi32>
      %squeeze3A_477 = vector.extract %slice3A_476[0] : i32 from vector<1xi32>
      %mul3A_478 = arith.constant 16 : i32
      %mul3A_479 = arith.muli %scan3A_272, %mul3A_478 : i32
      %add3A_480 = arith.constant 11 : i32
      %add3A_481 = arith.addi %mul3A_479, %add3A_480 : i32
      %dma_start3A_482 = arith.constant 0 : i32
      %dma_start3A_483 = tpu.memref_slice %arg7[%add3A_481, %dma_start3A_482] : memref<256x64xf32, #tpu.memory_space<vmem>> -> memref<1x64xf32, #tpu.memory_space<vmem>>
      %dma_start3A_484 = tpu.memref_squeeze %dma_start3A_483 : memref<1x64xf32, #tpu.memory_space<vmem>> -> memref<64xf32, #tpu.memory_space<vmem>>
      %dma_start3A_485 = arith.constant 0 : i32
      %dma_start3A_486 = tpu.memref_slice %arg2[%squeeze3A_477, %dma_start3A_485] : memref<1000000x64xf32, #tpu.memory_space<hbm>> -> memref<1x64xf32, #tpu.memory_space<hbm>>
      %dma_start3A_487 = tpu.memref_squeeze %dma_start3A_486 : memref<1x64xf32, #tpu.memory_space<hbm>> -> memref<64xf32, #tpu.memory_space<hbm>>
      %dma_start3A_488 = arith.constant 0 : i32
      %dma_start3A_489 = tpu.memref_slice %arg7[%add3A_481, %dma_start3A_488] : memref<256x64xf32, #tpu.memory_space<vmem>> -> memref<1x64xf32, #tpu.memory_space<vmem>>
      %dma_start3A_490 = tpu.memref_squeeze %dma_start3A_489 : memref<1x64xf32, #tpu.memory_space<vmem>> -> memref<64xf32, #tpu.memory_space<vmem>>
      %dma_start3A_491 = arith.constant 0 : i32
      %dma_start3A_492 = tpu.memref_slice %arg2[%squeeze3A_477, %dma_start3A_491] : memref<1000000x64xf32, #tpu.memory_space<hbm>> -> memref<1x64xf32, #tpu.memory_space<hbm>>
      %dma_start3A_493 = tpu.memref_squeeze %dma_start3A_492 : memref<1x64xf32, #tpu.memory_space<hbm>> -> memref<64xf32, #tpu.memory_space<hbm>>
      tpu.enqueue_dma source(%dma_start3A_493 : memref<64xf32, #tpu.memory_space<hbm>>) target(%dma_start3A_490 : memref<64xf32, #tpu.memory_space<vmem>>) target_semaphore(%arg13 : memref<!tpu.dma_semaphore, #tpu.memory_space<semaphore_mem>>)
      %slice3A_494 = vector.extract_strided_slice %get3A_279 {offsets = [12], sizes = [1], strides = [1]} : vector<16xi32> to vector<1xi32>
      %squeeze3A_495 = vector.extract %slice3A_494[0] : i32 from vector<1xi32>
      %mul3A_496 = arith.constant 16 : i32
      %mul3A_497 = arith.muli %scan3A_272, %mul3A_496 : i32
      %add3A_498 = arith.constant 12 : i32
      %add3A_499 = arith.addi %mul3A_497, %add3A_498 : i32
      %dma_start3A_500 = arith.constant 0 : i32
      %dma_start3A_501 = tpu.memref_slice %arg7[%add3A_499, %dma_start3A_500] : memref<256x64xf32, #tpu.memory_space<vmem>> -> memref<1x64xf32, #tpu.memory_space<vmem>>
      %dma_start3A_502 = tpu.memref_squeeze %dma_start3A_501 : memref<1x64xf32, #tpu.memory_space<vmem>> -> memref<64xf32, #tpu.memory_space<vmem>>
      %dma_start3A_503 = arith.constant 0 : i32
      %dma_start3A_504 = tpu.memref_slice %arg2[%squeeze3A_495, %dma_start3A_503] : memref<1000000x64xf32, #tpu.memory_space<hbm>> -> memref<1x64xf32, #tpu.memory_space<hbm>>
      %dma_start3A_505 = tpu.memref_squeeze %dma_start3A_504 : memref<1x64xf32, #tpu.memory_space<hbm>> -> memref<64xf32, #tpu.memory_space<hbm>>
      %dma_start3A_506 = arith.constant 0 : i32
      %dma_start3A_507 = tpu.memref_slice %arg7[%add3A_499, %dma_start3A_506] : memref<256x64xf32, #tpu.memory_space<vmem>> -> memref<1x64xf32, #tpu.memory_space<vmem>>
      %dma_start3A_508 = tpu.memref_squeeze %dma_start3A_507 : memref<1x64xf32, #tpu.memory_space<vmem>> -> memref<64xf32, #tpu.memory_space<vmem>>
      %dma_start3A_509 = arith.constant 0 : i32
      %dma_start3A_510 = tpu.memref_slice %arg2[%squeeze3A_495, %dma_start3A_509] : memref<1000000x64xf32, #tpu.memory_space<hbm>> -> memref<1x64xf32, #tpu.memory_space<hbm>>
      %dma_start3A_511 = tpu.memref_squeeze %dma_start3A_510 : memref<1x64xf32, #tpu.memory_space<hbm>> -> memref<64xf32, #tpu.memory_space<hbm>>
      tpu.enqueue_dma source(%dma_start3A_511 : memref<64xf32, #tpu.memory_space<hbm>>) target(%dma_start3A_508 : memref<64xf32, #tpu.memory_space<vmem>>) target_semaphore(%arg14 : memref<!tpu.dma_semaphore, #tpu.memory_space<semaphore_mem>>)
      %slice3A_512 = vector.extract_strided_slice %get3A_279 {offsets = [13], sizes = [1], strides = [1]} : vector<16xi32> to vector<1xi32>
      %squeeze3A_513 = vector.extract %slice3A_512[0] : i32 from vector<1xi32>
      %mul3A_514 = arith.constant 16 : i32
      %mul3A_515 = arith.muli %scan3A_272, %mul3A_514 : i32
      %add3A_516 = arith.constant 13 : i32
      %add3A_517 = arith.addi %mul3A_515, %add3A_516 : i32
      %dma_start3A_518 = arith.constant 0 : i32
      %dma_start3A_519 = tpu.memref_slice %arg7[%add3A_517, %dma_start3A_518] : memref<256x64xf32, #tpu.memory_space<vmem>> -> memref<1x64xf32, #tpu.memory_space<vmem>>
      %dma_start3A_520 = tpu.memref_squeeze %dma_start3A_519 : memref<1x64xf32, #tpu.memory_space<vmem>> -> memref<64xf32, #tpu.memory_space<vmem>>
      %dma_start3A_521 = arith.constant 0 : i32
      %dma_start3A_522 = tpu.memref_slice %arg2[%squeeze3A_513, %dma_start3A_521] : memref<1000000x64xf32, #tpu.memory_space<hbm>> -> memref<1x64xf32, #tpu.memory_space<hbm>>
      %dma_start3A_523 = tpu.memref_squeeze %dma_start3A_522 : memref<1x64xf32, #tpu.memory_space<hbm>> -> memref<64xf32, #tpu.memory_space<hbm>>
      %dma_start3A_524 = arith.constant 0 : i32
      %dma_start3A_525 = tpu.memref_slice %arg7[%add3A_517, %dma_start3A_524] : memref<256x64xf32, #tpu.memory_space<vmem>> -> memref<1x64xf32, #tpu.memory_space<vmem>>
      %dma_start3A_526 = tpu.memref_squeeze %dma_start3A_525 : memref<1x64xf32, #tpu.memory_space<vmem>> -> memref<64xf32, #tpu.memory_space<vmem>>
      %dma_start3A_527 = arith.constant 0 : i32
      %dma_start3A_528 = tpu.memref_slice %arg2[%squeeze3A_513, %dma_start3A_527] : memref<1000000x64xf32, #tpu.memory_space<hbm>> -> memref<1x64xf32, #tpu.memory_space<hbm>>
      %dma_start3A_529 = tpu.memref_squeeze %dma_start3A_528 : memref<1x64xf32, #tpu.memory_space<hbm>> -> memref<64xf32, #tpu.memory_space<hbm>>
      tpu.enqueue_dma source(%dma_start3A_529 : memref<64xf32, #tpu.memory_space<hbm>>) target(%dma_start3A_526 : memref<64xf32, #tpu.memory_space<vmem>>) target_semaphore(%arg15 : memref<!tpu.dma_semaphore, #tpu.memory_space<semaphore_mem>>)
      %slice3A_530 = vector.extract_strided_slice %get3A_279 {offsets = [14], sizes = [1], strides = [1]} : vector<16xi32> to vector<1xi32>
      %squeeze3A_531 = vector.extract %slice3A_530[0] : i32 from vector<1xi32>
      %mul3A_532 = arith.constant 16 : i32
      %mul3A_533 = arith.muli %scan3A_272, %mul3A_532 : i32
      %add3A_534 = arith.constant 14 : i32
      %add3A_535 = arith.addi %mul3A_533, %add3A_534 : i32
      %dma_start3A_536 = arith.constant 0 : i32
      %dma_start3A_537 = tpu.memref_slice %arg7[%add3A_535, %dma_start3A_536] : memref<256x64xf32, #tpu.memory_space<vmem>> -> memref<1x64xf32, #tpu.memory_space<vmem>>
      %dma_start3A_538 = tpu.memref_squeeze %dma_start3A_537 : memref<1x64xf32, #tpu.memory_space<vmem>> -> memref<64xf32, #tpu.memory_space<vmem>>
      %dma_start3A_539 = arith.constant 0 : i32
      %dma_start3A_540 = tpu.memref_slice %arg2[%squeeze3A_531, %dma_start3A_539] : memref<1000000x64xf32, #tpu.memory_space<hbm>> -> memref<1x64xf32, #tpu.memory_space<hbm>>
      %dma_start3A_541 = tpu.memref_squeeze %dma_start3A_540 : memref<1x64xf32, #tpu.memory_space<hbm>> -> memref<64xf32, #tpu.memory_space<hbm>>
      %dma_start3A_542 = arith.constant 0 : i32
      %dma_start3A_543 = tpu.memref_slice %arg7[%add3A_535, %dma_start3A_542] : memref<256x64xf32, #tpu.memory_space<vmem>> -> memref<1x64xf32, #tpu.memory_space<vmem>>
      %dma_start3A_544 = tpu.memref_squeeze %dma_start3A_543 : memref<1x64xf32, #tpu.memory_space<vmem>> -> memref<64xf32, #tpu.memory_space<vmem>>
      %dma_start3A_545 = arith.constant 0 : i32
      %dma_start3A_546 = tpu.memref_slice %arg2[%squeeze3A_531, %dma_start3A_545] : memref<1000000x64xf32, #tpu.memory_space<hbm>> -> memref<1x64xf32, #tpu.memory_space<hbm>>
      %dma_start3A_547 = tpu.memref_squeeze %dma_start3A_546 : memref<1x64xf32, #tpu.memory_space<hbm>> -> memref<64xf32, #tpu.memory_space<hbm>>
      tpu.enqueue_dma source(%dma_start3A_547 : memref<64xf32, #tpu.memory_space<hbm>>) target(%dma_start3A_544 : memref<64xf32, #tpu.memory_space<vmem>>) target_semaphore(%arg16 : memref<!tpu.dma_semaphore, #tpu.memory_space<semaphore_mem>>)
      %slice3A_548 = vector.extract_strided_slice %get3A_279 {offsets = [15], sizes = [1], strides = [1]} : vector<16xi32> to vector<1xi32>
      %squeeze3A_549 = vector.extract %slice3A_548[0] : i32 from vector<1xi32>
      %mul3A_550 = arith.constant 16 : i32
      %mul3A_551 = arith.muli %scan3A_272, %mul3A_550 : i32
      %add3A_552 = arith.constant 15 : i32
      %add3A_553 = arith.addi %mul3A_551, %add3A_552 : i32
      %dma_start3A_554 = arith.constant 0 : i32
      %dma_start3A_555 = tpu.memref_slice %arg7[%add3A_553, %dma_start3A_554] : memref<256x64xf32, #tpu.memory_space<vmem>> -> memref<1x64xf32, #tpu.memory_space<vmem>>
      %dma_start3A_556 = tpu.memref_squeeze %dma_start3A_555 : memref<1x64xf32, #tpu.memory_space<vmem>> -> memref<64xf32, #tpu.memory_space<vmem>>
      %dma_start3A_557 = arith.constant 0 : i32
      %dma_start3A_558 = tpu.memref_slice %arg2[%squeeze3A_549, %dma_start3A_557] : memref<1000000x64xf32, #tpu.memory_space<hbm>> -> memref<1x64xf32, #tpu.memory_space<hbm>>
      %dma_start3A_559 = tpu.memref_squeeze %dma_start3A_558 : memref<1x64xf32, #tpu.memory_space<hbm>> -> memref<64xf32, #tpu.memory_space<hbm>>
      %dma_start3A_560 = arith.constant 0 : i32
      %dma_start3A_561 = tpu.memref_slice %arg7[%add3A_553, %dma_start3A_560] : memref<256x64xf32, #tpu.memory_space<vmem>> -> memref<1x64xf32, #tpu.memory_space<vmem>>
      %dma_start3A_562 = tpu.memref_squeeze %dma_start3A_561 : memref<1x64xf32, #tpu.memory_space<vmem>> -> memref<64xf32, #tpu.memory_space<vmem>>
      %dma_start3A_563 = arith.constant 0 : i32
      %dma_start3A_564 = tpu.memref_slice %arg2[%squeeze3A_549, %dma_start3A_563] : memref<1000000x64xf32, #tpu.memory_space<hbm>> -> memref<1x64xf32, #tpu.memory_space<hbm>>
      %dma_start3A_565 = tpu.memref_squeeze %dma_start3A_564 : memref<1x64xf32, #tpu.memory_space<hbm>> -> memref<64xf32, #tpu.memory_space<hbm>>
      tpu.enqueue_dma source(%dma_start3A_565 : memref<64xf32, #tpu.memory_space<hbm>>) target(%dma_start3A_562 : memref<64xf32, #tpu.memory_space<vmem>>) target_semaphore(%arg17 : memref<!tpu.dma_semaphore, #tpu.memory_space<semaphore_mem>>)
      %scan3A_566 = arith.constant 0 : i32
      scf.yield %scan3A_566 : i32
    }
    %scan3A_132 = arith.constant 16 : i32
    %dma_wait3A_133 = arith.constant 0 : i32
    %dma_wait3A_134 = tpu.memref_slice %arg4[%add3A_121, %dma_wait3A_133] : memref<16384x64xf32, #tpu.memory_space<hbm>> -> memref<256x64xf32, #tpu.memory_space<hbm>>
    %dma_wait3A_135 = arith.constant 0 : i32
    %dma_wait3A_136 = tpu.memref_slice %arg4[%add3A_121, %dma_wait3A_135] : memref<16384x64xf32, #tpu.memory_space<hbm>> -> memref<256x64xf32, #tpu.memory_space<hbm>>
    tpu.wait_dma2 semaphore(%arg18 : memref<!tpu.dma_semaphore, #tpu.memory_space<semaphore_mem>>) src(%dma_wait3A_136 : memref<256x64xf32, #tpu.memory_space<hbm>>) dst(%arg8 : memref<256x64xf32, #tpu.memory_space<vmem>>)
    %dma_wait3A_137 = arith.constant 0 : i32
    %dma_wait3A_138 = arith.constant 0 : i32
    %dma_wait3A_139 = tpu.memref_slice %arg7[%dma_wait3A_137, %dma_wait3A_138] : memref<256x64xf32, #tpu.memory_space<vmem>> -> memref<32x64xf32, #tpu.memory_space<vmem>>
    %dma_wait3A_140 = arith.constant 0 : i32
    %dma_wait3A_141 = arith.constant 0 : i32
    %dma_wait3A_142 = tpu.memref_slice %arg4[%dma_wait3A_140, %dma_wait3A_141] : memref<16384x64xf32, #tpu.memory_space<hbm>> -> memref<32x64xf32, #tpu.memory_space<hbm>>
    %dma_wait3A_143 = arith.constant 0 : i32
    %dma_wait3A_144 = arith.constant 0 : i32
    %dma_wait3A_145 = tpu.memref_slice %arg7[%dma_wait3A_143, %dma_wait3A_144] : memref<256x64xf32, #tpu.memory_space<vmem>> -> memref<32x64xf32, #tpu.memory_space<vmem>>
    %dma_wait3A_146 = arith.constant 0 : i32
    %dma_wait3A_147 = arith.constant 0 : i32
    %dma_wait3A_148 = tpu.memref_slice %arg4[%dma_wait3A_146, %dma_wait3A_147] : memref<16384x64xf32, #tpu.memory_space<hbm>> -> memref<32x64xf32, #tpu.memory_space<hbm>>
    tpu.wait_dma2 semaphore(%arg10 : memref<!tpu.dma_semaphore, #tpu.memory_space<semaphore_mem>>) src(%dma_wait3A_148 : memref<32x64xf32, #tpu.memory_space<hbm>>) dst(%dma_wait3A_145 : memref<32x64xf32, #tpu.memory_space<vmem>>)
    %dma_wait3A_149 = arith.constant 0 : i32
    %dma_wait3A_150 = arith.constant 0 : i32
    %dma_wait3A_151 = tpu.memref_slice %arg7[%dma_wait3A_149, %dma_wait3A_150] : memref<256x64xf32, #tpu.memory_space<vmem>> -> memref<32x64xf32, #tpu.memory_space<vmem>>
    %dma_wait3A_152 = arith.constant 0 : i32
    %dma_wait3A_153 = arith.constant 0 : i32
    %dma_wait3A_154 = tpu.memref_slice %arg4[%dma_wait3A_152, %dma_wait3A_153] : memref<16384x64xf32, #tpu.memory_space<hbm>> -> memref<32x64xf32, #tpu.memory_space<hbm>>
    %dma_wait3A_155 = arith.constant 0 : i32
    %dma_wait3A_156 = arith.constant 0 : i32
    %dma_wait3A_157 = tpu.memref_slice %arg7[%dma_wait3A_155, %dma_wait3A_156] : memref<256x64xf32, #tpu.memory_space<vmem>> -> memref<32x64xf32, #tpu.memory_space<vmem>>
    %dma_wait3A_158 = arith.constant 0 : i32
    %dma_wait3A_159 = arith.constant 0 : i32
    %dma_wait3A_160 = tpu.memref_slice %arg4[%dma_wait3A_158, %dma_wait3A_159] : memref<16384x64xf32, #tpu.memory_space<hbm>> -> memref<32x64xf32, #tpu.memory_space<hbm>>
    tpu.wait_dma2 semaphore(%arg11 : memref<!tpu.dma_semaphore, #tpu.memory_space<semaphore_mem>>) src(%dma_wait3A_160 : memref<32x64xf32, #tpu.memory_space<hbm>>) dst(%dma_wait3A_157 : memref<32x64xf32, #tpu.memory_space<vmem>>)
    %dma_wait3A_161 = arith.constant 0 : i32
    %dma_wait3A_162 = arith.constant 0 : i32
    %dma_wait3A_163 = tpu.memref_slice %arg7[%dma_wait3A_161, %dma_wait3A_162] : memref<256x64xf32, #tpu.memory_space<vmem>> -> memref<32x64xf32, #tpu.memory_space<vmem>>
    %dma_wait3A_164 = arith.constant 0 : i32
    %dma_wait3A_165 = arith.constant 0 : i32
    %dma_wait3A_166 = tpu.memref_slice %arg4[%dma_wait3A_164, %dma_wait3A_165] : memref<16384x64xf32, #tpu.memory_space<hbm>> -> memref<32x64xf32, #tpu.memory_space<hbm>>
    %dma_wait3A_167 = arith.constant 0 : i32
    %dma_wait3A_168 = arith.constant 0 : i32
    %dma_wait3A_169 = tpu.memref_slice %arg7[%dma_wait3A_167, %dma_wait3A_168] : memref<256x64xf32, #tpu.memory_space<vmem>> -> memref<32x64xf32, #tpu.memory_space<vmem>>
    %dma_wait3A_170 = arith.constant 0 : i32
    %dma_wait3A_171 = arith.constant 0 : i32
    %dma_wait3A_172 = tpu.memref_slice %arg4[%dma_wait3A_170, %dma_wait3A_171] : memref<16384x64xf32, #tpu.memory_space<hbm>> -> memref<32x64xf32, #tpu.memory_space<hbm>>
    tpu.wait_dma2 semaphore(%arg12 : memref<!tpu.dma_semaphore, #tpu.memory_space<semaphore_mem>>) src(%dma_wait3A_172 : memref<32x64xf32, #tpu.memory_space<hbm>>) dst(%dma_wait3A_169 : memref<32x64xf32, #tpu.memory_space<vmem>>)
    %dma_wait3A_173 = arith.constant 0 : i32
    %dma_wait3A_174 = arith.constant 0 : i32
    %dma_wait3A_175 = tpu.memref_slice %arg7[%dma_wait3A_173, %dma_wait3A_174] : memref<256x64xf32, #tpu.memory_space<vmem>> -> memref<32x64xf32, #tpu.memory_space<vmem>>
    %dma_wait3A_176 = arith.constant 0 : i32
    %dma_wait3A_177 = arith.constant 0 : i32
    %dma_wait3A_178 = tpu.memref_slice %arg4[%dma_wait3A_176, %dma_wait3A_177] : memref<16384x64xf32, #tpu.memory_space<hbm>> -> memref<32x64xf32, #tpu.memory_space<hbm>>
    %dma_wait3A_179 = arith.constant 0 : i32
    %dma_wait3A_180 = arith.constant 0 : i32
    %dma_wait3A_181 = tpu.memref_slice %arg7[%dma_wait3A_179, %dma_wait3A_180] : memref<256x64xf32, #tpu.memory_space<vmem>> -> memref<32x64xf32, #tpu.memory_space<vmem>>
    %dma_wait3A_182 = arith.constant 0 : i32
    %dma_wait3A_183 = arith.constant 0 : i32
    %dma_wait3A_184 = tpu.memref_slice %arg4[%dma_wait3A_182, %dma_wait3A_183] : memref<16384x64xf32, #tpu.memory_space<hbm>> -> memref<32x64xf32, #tpu.memory_space<hbm>>
    tpu.wait_dma2 semaphore(%arg13 : memref<!tpu.dma_semaphore, #tpu.memory_space<semaphore_mem>>) src(%dma_wait3A_184 : memref<32x64xf32, #tpu.memory_space<hbm>>) dst(%dma_wait3A_181 : memref<32x64xf32, #tpu.memory_space<vmem>>)
    %dma_wait3A_185 = arith.constant 0 : i32
    %dma_wait3A_186 = arith.constant 0 : i32
    %dma_wait3A_187 = tpu.memref_slice %arg7[%dma_wait3A_185, %dma_wait3A_186] : memref<256x64xf32, #tpu.memory_space<vmem>> -> memref<32x64xf32, #tpu.memory_space<vmem>>
    %dma_wait3A_188 = arith.constant 0 : i32
    %dma_wait3A_189 = arith.constant 0 : i32
    %dma_wait3A_190 = tpu.memref_slice %arg4[%dma_wait3A_188, %dma_wait3A_189] : memref<16384x64xf32, #tpu.memory_space<hbm>> -> memref<32x64xf32, #tpu.memory_space<hbm>>
    %dma_wait3A_191 = arith.constant 0 : i32
    %dma_wait3A_192 = arith.constant 0 : i32
    %dma_wait3A_193 = tpu.memref_slice %arg7[%dma_wait3A_191, %dma_wait3A_192] : memref<256x64xf32, #tpu.memory_space<vmem>> -> memref<32x64xf32, #tpu.memory_space<vmem>>
    %dma_wait3A_194 = arith.constant 0 : i32
    %dma_wait3A_195 = arith.constant 0 : i32
    %dma_wait3A_196 = tpu.memref_slice %arg4[%dma_wait3A_194, %dma_wait3A_195] : memref<16384x64xf32, #tpu.memory_space<hbm>> -> memref<32x64xf32, #tpu.memory_space<hbm>>
    tpu.wait_dma2 semaphore(%arg14 : memref<!tpu.dma_semaphore, #tpu.memory_space<semaphore_mem>>) src(%dma_wait3A_196 : memref<32x64xf32, #tpu.memory_space<hbm>>) dst(%dma_wait3A_193 : memref<32x64xf32, #tpu.memory_space<vmem>>)
    %dma_wait3A_197 = arith.constant 0 : i32
    %dma_wait3A_198 = arith.constant 0 : i32
    %dma_wait3A_199 = tpu.memref_slice %arg7[%dma_wait3A_197, %dma_wait3A_198] : memref<256x64xf32, #tpu.memory_space<vmem>> -> memref<32x64xf32, #tpu.memory_space<vmem>>
    %dma_wait3A_200 = arith.constant 0 : i32
    %dma_wait3A_201 = arith.constant 0 : i32
    %dma_wait3A_202 = tpu.memref_slice %arg4[%dma_wait3A_200, %dma_wait3A_201] : memref<16384x64xf32, #tpu.memory_space<hbm>> -> memref<32x64xf32, #tpu.memory_space<hbm>>
    %dma_wait3A_203 = arith.constant 0 : i32
    %dma_wait3A_204 = arith.constant 0 : i32
    %dma_wait3A_205 = tpu.memref_slice %arg7[%dma_wait3A_203, %dma_wait3A_204] : memref<256x64xf32, #tpu.memory_space<vmem>> -> memref<32x64xf32, #tpu.memory_space<vmem>>
    %dma_wait3A_206 = arith.constant 0 : i32
    %dma_wait3A_207 = arith.constant 0 : i32
    %dma_wait3A_208 = tpu.memref_slice %arg4[%dma_wait3A_206, %dma_wait3A_207] : memref<16384x64xf32, #tpu.memory_space<hbm>> -> memref<32x64xf32, #tpu.memory_space<hbm>>
    tpu.wait_dma2 semaphore(%arg15 : memref<!tpu.dma_semaphore, #tpu.memory_space<semaphore_mem>>) src(%dma_wait3A_208 : memref<32x64xf32, #tpu.memory_space<hbm>>) dst(%dma_wait3A_205 : memref<32x64xf32, #tpu.memory_space<vmem>>)
    %dma_wait3A_209 = arith.constant 0 : i32
    %dma_wait3A_210 = arith.constant 0 : i32
    %dma_wait3A_211 = tpu.memref_slice %arg7[%dma_wait3A_209, %dma_wait3A_210] : memref<256x64xf32, #tpu.memory_space<vmem>> -> memref<32x64xf32, #tpu.memory_space<vmem>>
    %dma_wait3A_212 = arith.constant 0 : i32
    %dma_wait3A_213 = arith.constant 0 : i32
    %dma_wait3A_214 = tpu.memref_slice %arg4[%dma_wait3A_212, %dma_wait3A_213] : memref<16384x64xf32, #tpu.memory_space<hbm>> -> memref<32x64xf32, #tpu.memory_space<hbm>>
    %dma_wait3A_215 = arith.constant 0 : i32
    %dma_wait3A_216 = arith.constant 0 : i32
    %dma_wait3A_217 = tpu.memref_slice %arg7[%dma_wait3A_215, %dma_wait3A_216] : memref<256x64xf32, #tpu.memory_space<vmem>> -> memref<32x64xf32, #tpu.memory_space<vmem>>
    %dma_wait3A_218 = arith.constant 0 : i32
    %dma_wait3A_219 = arith.constant 0 : i32
    %dma_wait3A_220 = tpu.memref_slice %arg4[%dma_wait3A_218, %dma_wait3A_219] : memref<16384x64xf32, #tpu.memory_space<hbm>> -> memref<32x64xf32, #tpu.memory_space<hbm>>
    tpu.wait_dma2 semaphore(%arg16 : memref<!tpu.dma_semaphore, #tpu.memory_space<semaphore_mem>>) src(%dma_wait3A_220 : memref<32x64xf32, #tpu.memory_space<hbm>>) dst(%dma_wait3A_217 : memref<32x64xf32, #tpu.memory_space<vmem>>)
    %dma_wait3A_221 = arith.constant 0 : i32
    %dma_wait3A_222 = arith.constant 0 : i32
    %dma_wait3A_223 = tpu.memref_slice %arg7[%dma_wait3A_221, %dma_wait3A_222] : memref<256x64xf32, #tpu.memory_space<vmem>> -> memref<32x64xf32, #tpu.memory_space<vmem>>
    %dma_wait3A_224 = arith.constant 0 : i32
    %dma_wait3A_225 = arith.constant 0 : i32
    %dma_wait3A_226 = tpu.memref_slice %arg4[%dma_wait3A_224, %dma_wait3A_225] : memref<16384x64xf32, #tpu.memory_space<hbm>> -> memref<32x64xf32, #tpu.memory_space<hbm>>
    %dma_wait3A_227 = arith.constant 0 : i32
    %dma_wait3A_228 = arith.constant 0 : i32
    %dma_wait3A_229 = tpu.memref_slice %arg7[%dma_wait3A_227, %dma_wait3A_228] : memref<256x64xf32, #tpu.memory_space<vmem>> -> memref<32x64xf32, #tpu.memory_space<vmem>>
    %dma_wait3A_230 = arith.constant 0 : i32
    %dma_wait3A_231 = arith.constant 0 : i32
    %dma_wait3A_232 = tpu.memref_slice %arg4[%dma_wait3A_230, %dma_wait3A_231] : memref<16384x64xf32, #tpu.memory_space<hbm>> -> memref<32x64xf32, #tpu.memory_space<hbm>>
    tpu.wait_dma2 semaphore(%arg17 : memref<!tpu.dma_semaphore, #tpu.memory_space<semaphore_mem>>) src(%dma_wait3A_232 : memref<32x64xf32, #tpu.memory_space<hbm>>) dst(%dma_wait3A_229 : memref<32x64xf32, #tpu.memory_space<vmem>>)
    %scan3A_233 = arith.constant 0 : i32
    %scan3A_234 = arith.constant 256 : i32
    %scan3A_235 = arith.addi %scan3A_233, %scan3A_234 : i32
    %scan3A_236 = arith.constant 1 : i32
    %scan3A_237 = scf.for %scan3A_272 = %scan3A_233 to %scan3A_235 step %scan3A_236 iter_args(%scan3A_273 = %scan3A_118) -> (vector<16xf32>)  : i32 {
      %get3A = arith.index_cast %scan3A_272 : i32 to index
      %get3A_274 = arith.constant 0 : index
      %get3A_275 = tpu.vector_load %arg8[%get3A, %get3A_274] {strides = array<i32>} : memref<256x64xf32, #tpu.memory_space<vmem>>, vector<1x16xf32>,
      %get3A_276 = vector.shape_cast %get3A_275 : vector<1x16xf32> to vector<16xf32>
      %get3A_277 = arith.index_cast %scan3A_272 : i32 to index
      %get3A_278 = arith.constant 0 : index
      %get3A_279 = tpu.vector_load %arg7[%get3A_277, %get3A_278] {strides = array<i32>} : memref<256x64xf32, #tpu.memory_space<vmem>>, vector<1x16xf32>,
      %get3A_280 = vector.shape_cast %get3A_279 : vector<1x16xf32> to vector<16xf32>
      %sub3A = arith.subf %get3A_276, %get3A_280 : vector<16xf32>
      %mul3A_281 = arith.mulf %sub3A, %sub3A : vector<16xf32>
      %add3A_282 = arith.addf %scan3A_273, %mul3A_281 : vector<16xf32>
      %get3A_283 = arith.index_cast %scan3A_272 : i32 to index
      %get3A_284 = arith.constant 16 : index
      %get3A_285 = tpu.vector_load %arg8[%get3A_283, %get3A_284] {strides = array<i32>} : memref<256x64xf32, #tpu.memory_space<vmem>>, vector<1x16xf32>,
      %get3A_286 = vector.shape_cast %get3A_285 : vector<1x16xf32> to vector<16xf32>
      %get3A_287 = arith.index_cast %scan3A_272 : i32 to index
      %get3A_288 = arith.constant 16 : index
      %get3A_289 = tpu.vector_load %arg7[%get3A_287, %get3A_288] {strides = array<i32>} : memref<256x64xf32, #tpu.memory_space<vmem>>, vector<1x16xf32>,
      %get3A_290 = vector.shape_cast %get3A_289 : vector<1x16xf32> to vector<16xf32>
      %sub3A_291 = arith.subf %get3A_286, %get3A_290 : vector<16xf32>
      %mul3A_292 = arith.mulf %sub3A_291, %sub3A_291 : vector<16xf32>
      %add3A_293 = arith.addf %add3A_282, %mul3A_292 : vector<16xf32>
      %get3A_294 = arith.index_cast %scan3A_272 : i32 to index
      %get3A_295 = arith.constant 32 : index
      %get3A_296 = tpu.vector_load %arg8[%get3A_294, %get3A_295] {strides = array<i32>} : memref<256x64xf32, #tpu.memory_space<vmem>>, vector<1x16xf32>,
      %get3A_297 = vector.shape_cast %get3A_296 : vector<1x16xf32> to vector<16xf32>
      %get3A_298 = arith.index_cast %scan3A_272 : i32 to index
      %get3A_299 = arith.constant 32 : index
      %get3A_300 = tpu.vector_load %arg7[%get3A_298, %get3A_299] {strides = array<i32>} : memref<256x64xf32, #tpu.memory_space<vmem>>, vector<1x16xf32>,
      %get3A_301 = vector.shape_cast %get3A_300 : vector<1x16xf32> to vector<16xf32>
      %sub3A_302 = arith.subf %get3A_297, %get3A_301 : vector<16xf32>
      %mul3A_303 = arith.mulf %sub3A_302, %sub3A_302 : vector<16xf32>
      %add3A_304 = arith.addf %add3A_293, %mul3A_303 : vector<16xf32>
      %get3A_305 = arith.index_cast %scan3A_272 : i32 to index
      %get3A_306 = arith.constant 48 : index
      %get3A_307 = tpu.vector_load %arg8[%get3A_305, %get3A_306] {strides = array<i32>} : memref<256x64xf32, #tpu.memory_space<vmem>>, vector<1x16xf32>,
      %get3A_308 = vector.shape_cast %get3A_307 : vector<1x16xf32> to vector<16xf32>
      %get3A_309 = arith.index_cast %scan3A_272 : i32 to index
      %get3A_310 = arith.constant 48 : index
      %get3A_311 = tpu.vector_load %arg7[%get3A_309, %get3A_310] {strides = array<i32>} : memref<256x64xf32, #tpu.memory_space<vmem>>, vector<1x16xf32>,
      %get3A_312 = vector.shape_cast %get3A_311 : vector<1x16xf32> to vector<16xf32>
      %sub3A_313 = arith.subf %get3A_308, %get3A_312 : vector<16xf32>
      %mul3A_314 = arith.mulf %sub3A_313, %sub3A_313 : vector<16xf32>
      %add3A_315 = arith.addf %add3A_304, %mul3A_314 : vector<16xf32>
      scf.yield %add3A_315 : vector<16xf32>
    }
    %scan3A_238 = arith.constant 256 : i32
    %broadcast_in_dim3A_239 = arith.constant 0.000000e+00 : f32
    %broadcast_in_dim3A_240 = vector.broadcast %broadcast_in_dim3A_239 : f32 to vector<16xf32>
    %swap3A = arith.constant 0 : index
    %swap3A_241 = tpu.vector_load %arg9[%swap3A] {strides = array<i32>} : memref<128xf32, #tpu.memory_space<vmem>>, vector<16xf32>,
    %swap3A_242 = vector.shape_cast %swap3A_241 : vector<16xf32> to vector<16xf32>
    %swap3A_243 = vector.shape_cast %scan3A_237 : vector<16xf32> to vector<16xf32>
    tpu.vector_store %arg9[%swap3A], %swap3A_243 {strides = array<i32>} : memref<128xf32, #tpu.memory_space<vmem>>, vector<16xf32>,
    %swap3A_244 = arith.constant 16 : index
    %swap3A_245 = tpu.vector_load %arg9[%swap3A_244] {strides = array<i32>} : memref<128xf32, #tpu.memory_space<vmem>>, vector<16xf32>,
    %swap3A_246 = vector.shape_cast %swap3A_245 : vector<16xf32> to vector<16xf32>
    %swap3A_247 = vector.shape_cast %broadcast_in_dim3A_240 : vector<16xf32> to vector<16xf32>
    tpu.vector_store %arg9[%swap3A_244], %swap3A_247 {strides = array<i32>} : memref<128xf32, #tpu.memory_space<vmem>>, vector<16xf32>,
    %swap3A_248 = arith.constant 32 : index
    %swap3A_249 = tpu.vector_load %arg9[%swap3A_248] {strides = array<i32>} : memref<128xf32, #tpu.memory_space<vmem>>, vector<16xf32>,
    %swap3A_250 = vector.shape_cast %swap3A_249 : vector<16xf32> to vector<16xf32>
    %swap3A_251 = vector.shape_cast %broadcast_in_dim3A_240 : vector<16xf32> to vector<16xf32>
    tpu.vector_store %arg9[%swap3A_248], %swap3A_251 {strides = array<i32>} : memref<128xf32, #tpu.memory_space<vmem>>, vector<16xf32>,
    %swap3A_252 = arith.constant 48 : index
    %swap3A_253 = tpu.vector_load %arg9[%swap3A_252] {strides = array<i32>} : memref<128xf32, #tpu.memory_space<vmem>>, vector<16xf32>,
    %swap3A_254 = vector.shape_cast %swap3A_253 : vector<16xf32> to vector<16xf32>
    %swap3A_255 = vector.shape_cast %broadcast_in_dim3A_240 : vector<16xf32> to vector<16xf32>
    tpu.vector_store %arg9[%swap3A_252], %swap3A_255 {strides = array<i32>} : memref<128xf32, #tpu.memory_space<vmem>>, vector<16xf32>,
    %swap3A_256 = arith.constant 64 : index
    %swap3A_257 = tpu.vector_load %arg9[%swap3A_256] {strides = array<i32>} : memref<128xf32, #tpu.memory_space<vmem>>, vector<16xf32>,
    %swap3A_258 = vector.shape_cast %swap3A_257 : vector<16xf32> to vector<16xf32>
    %swap3A_259 = vector.shape_cast %broadcast_in_dim3A_240 : vector<16xf32> to vector<16xf32>
    tpu.vector_store %arg9[%swap3A_256], %swap3A_259 {strides = array<i32>} : memref<128xf32, #tpu.memory_space<vmem>>, vector<16xf32>,
    %swap3A_260 = arith.constant 80 : index
    %swap3A_261 = tpu.vector_load %arg9[%swap3A_260] {strides = array<i32>} : memref<128xf32, #tpu.memory_space<vmem>>, vector<16xf32>,
    %swap3A_262 = vector.shape_cast %swap3A_261 : vector<16xf32> to vector<16xf32>
    %swap3A_263 = vector.shape_cast %broadcast_in_dim3A_240 : vector<16xf32> to vector<16xf32>
    tpu.vector_store %arg9[%swap3A_260], %swap3A_263 {strides = array<i32>} : memref<128xf32, #tpu.memory_space<vmem>>, vector<16xf32>,
    %swap3A_264 = arith.constant 96 : index
    %swap3A_265 = tpu.vector_load %arg9[%swap3A_264] {strides = array<i32>} : memref<128xf32, #tpu.memory_space<vmem>>, vector<16xf32>,
    %swap3A_266 = vector.shape_cast %swap3A_265 : vector<16xf32> to vector<16xf32>
    %swap3A_267 = vector.shape_cast %broadcast_in_dim3A_240 : vector<16xf32> to vector<16xf32>
    tpu.vector_store %arg9[%swap3A_264], %swap3A_267 {strides = array<i32>} : memref<128xf32, #tpu.memory_space<vmem>>, vector<16xf32>,
    %swap3A_268 = arith.constant 112 : index
    %swap3A_269 = tpu.vector_load %arg9[%swap3A_268] {strides = array<i32>} : memref<128xf32, #tpu.memory_space<vmem>>, vector<16xf32>,
    %swap3A_270 = vector.shape_cast %swap3A_269 : vector<16xf32> to vector<16xf32>
    %swap3A_271 = vector.shape_cast %broadcast_in_dim3A_240 : vector<16xf32> to vector<16xf32>
    tpu.vector_store %arg9[%swap3A_268], %swap3A_271 {strides = array<i32>} : memref<128xf32, #tpu.memory_space<vmem>>, vector<16xf32>,
    "tpu.region"() ({
      %run_scoped3A = tpu.sem_alloc : memref<!tpu.dma_semaphore, #tpu.memory_space<semaphore_mem>>
      %dma_start3A_272 = arith.constant 0 : i32
      %dma_start3A_273 = tpu.memref_slice %arg5[%add3A, %dma_start3A_272] : memref<32x128xf32, #tpu.memory_space<hbm>> -> memref<1x128xf32, #tpu.memory_space<hbm>>
      %dma_start3A_274 = tpu.memref_squeeze %dma_start3A_273 : memref<1x128xf32, #tpu.memory_space<hbm>> -> memref<128xf32, #tpu.memory_space<hbm>>
      %dma_start3A_275 = arith.constant 0 : i32
      %dma_start3A_276 = tpu.memref_slice %arg5[%add3A, %dma_start3A_275] : memref<32x128xf32, #tpu.memory_space<hbm>> -> memref<1x128xf32, #tpu.memory_space<hbm>>
      %dma_start3A_277 = tpu.memref_squeeze %dma_start3A_276 : memref<1x128xf32, #tpu.memory_space<hbm>> -> memref<128xf32, #tpu.memory_space<hbm>>
      tpu.enqueue_dma source(%arg9 : memref<128xf32, #tpu.memory_space<vmem>>) target(%dma_start3A_277 : memref<128xf32, #tpu.memory_space<hbm>>) target_semaphore(%run_scoped3A : memref<!tpu.dma_semaphore, #tpu.memory_space<semaphore_mem>>)
      %dma_wait3A_278 = arith.constant 0 : i32
      %dma_wait3A_279 = tpu.memref_slice %arg5[%add3A, %dma_wait3A_278] : memref<32x128xf32, #tpu.memory_space<hbm>> -> memref<1x128xf32, #tpu.memory_space<hbm>>
      %dma_wait3A_280 = tpu.memref_squeeze %dma_wait3A_279 : memref<1x128xf32, #tpu.memory_space<hbm>> -> memref<128xf32, #tpu.memory_space<hbm>>
      %dma_wait3A_281 = arith.constant 0 : i32
      %dma_wait3A_282 = tpu.memref_slice %arg5[%add3A, %dma_wait3A_281] : memref<32x128xf32, #tpu.memory_space<hbm>> -> memref<1x128xf32, #tpu.memory_space<hbm>>
      %dma_wait3A_283 = tpu.memref_squeeze %dma_wait3A_282 : memref<1x128xf32, #tpu.memory_space<hbm>> -> memref<128xf32, #tpu.memory_space<hbm>>
      tpu.wait_dma2 semaphore(%run_scoped3A : memref<!tpu.dma_semaphore, #tpu.memory_space<semaphore_mem>>) src(%arg9 : memref<128xf32, #tpu.memory_space<vmem>>) dst(%dma_wait3A_283 : memref<128xf32, #tpu.memory_space<hbm>>)
      tpu.yield
    }) : () -> ()
    return
  }
}

module attributes {stable_mosaic.version = 14 : i64} {
  func.func @_reduce_body(%arg0: memref<32x128xf32, #tpu.memory_space<vmem>>, %arg1: memref<1x1xf32, #tpu.memory_space<vmem>>) attributes {dimension_semantics = [], scalar_prefetch = 0 : i64, scratch_operands = 0 : i64, tpu.core_type = #tpu.core_type<tc>} {
    %get3A = arith.constant 0 : index
    %get3A_0 = arith.constant 0 : index
    %get3A_1 = vector.load %arg0[%get3A, %get3A_0] : memref<32x128xf32, #tpu.memory_space<vmem>>, vector<32x128xf32>
    %reduce_sum3A = vector.shape_cast %get3A_1 : vector<32x128xf32> to vector<1x32x128xf32>
    %reduce_sum3A_2 = arith.constant dense<0.000000e+00> : vector<1xf32>
    %reduce_sum3A_3 = vector.multi_reduction <add>, %reduce_sum3A, %reduce_sum3A_2 [1, 2] : vector<1x32x128xf32> to vector<1xf32>
    %reduce_sum3A_4 = vector.shape_cast %reduce_sum3A_3 : vector<1xf32> to vector<1x1x1xf32>
    %reduce_sum3A_5 = vector.extract %reduce_sum3A_4[0, 0, 0] : f32 from vector<1x1x1xf32>
    %mul3A = arith.constant 9.15527351E-8 : f32
    %mul3A_6 = arith.mulf %reduce_sum3A_5, %mul3A : f32
    %broadcast_in_dim3A = vector.broadcast %mul3A_6 : f32 to vector<1x1xf32>
    %swap3A = arith.constant 0 : index
    %swap3A_7 = arith.constant 0 : index
    %swap3A_8 = vector.load %arg1[%swap3A, %swap3A_7] : memref<1x1xf32, #tpu.memory_space<vmem>>, vector<1x1xf32>
    tpu.vector_store %arg1[%swap3A, %swap3A_7], %broadcast_in_dim3A {strides = array<i32>} : memref<1x1xf32, #tpu.memory_space<vmem>>, vector<1x1xf32>,
    return
  }
}

</mosaic_0001>

<sc_bundles>
// kernel: kernel.4.cloned.1.call-start
scs
__scs_entry_jumppad:
0x0: {  	(pc) =	sbr.rel $0x88, $3  }
0x1: {  	(tag) =	ssettag $0x0;
	lr =	simm.s32 $0x1  }
0x2: {  	[smem:$0x3F9E] =	sst lr;
	_ =	strace $0xD0000000  }
0x3: {  	_ = 	snop  }
0x4: {  	_ = 	snop  }
0x5: {  	_ = 	snop  }
0x6: {  	_ = 	snop  }
0x7: {  	_ = 	snop  }
__scs_overlays_trampoline_lowered:
0x8: {  	[smem:$0x3FAD] =	sst s0  }
0x9: {  	[smem:$0x3FAE] =	sst s1  }
0xa: {  	[smem:$0x3FAF] =	sst s2  }
0xb: {  	[smem:$0x3FB0] =	sst s3  }
0xc: {  	[smem:$0x3FB1] =	sst s4  }
0xd: {  	[smem:$0x3FB2] =	sst s5  }
0xe: {  	[smem:$0x3FB3] =	sst s6  }
0xf: {  	[smem:$0x3FB4] =	sst s7  }
0x10: {  	[smem:$0x3FB5] =	sst s8  }
0x11: {  	[smem:$0x3FB6] =	sst s9;
	s0 =	simm.s32 @!p0 $0x0  }
0x12: {  	s1 =	sld [smem:$0x3F9C];
	s0 =	simm.s32 @p0 $0x1  }
0x13: {  	[smem:$0x3FB7] =	sst s0;
	s0 =	simm.s32 @!p1 $0x0  }
0x14: {  	s2 =	sld [smem:$0x3F9B];
	s0 =	simm.s32 @p1 $0x1  }
0x15: {  	[smem:$0x3FB8] =	sst s0;
	s0 =	simm.s32 @!p2 $0x0  }
0x16: {  	s3 =	sld [smem:$0x3FDB];
	s0 =	simm.s32 @p2 $0x1  }
0x17: {  	s4 =	simm.s32 $0x1BF5;
	[smem:$0x3FBA] =	sst s0  }
0x18: {  	s0 =	sld [smem:$0x3F9D];
	_ =	swait.ge [sflag:s4], $0x0  }
0x19: {  	s7 =	sld [smem:$0x3F9E]  }
0x1a: {  	s8 =	sadd.s32 $0xFFFFE003, lr  }
0x1b: {  	s9 =	sadd.s32 $0xFFFFFEF7, lr;
	s5 =	simm.s32 $0xFFFFFFFF;
	p2 =	slt.u32 s8, $0xFFFFF086  }
0x1c: {  	p1 =	slt.u32 s9, $0xF7A;
	s5 =	simm.s32 @!p2 $0x0  }
0x1d: {  	s5 =	simm.s32 @p1 $0x1;
	p0 =	seq.s32 s7, s2  }
0x1e: {  	s7 =	smul.u32 @!p0 $0xF7A, s2;
	p2 =	seq.s32 @!p0 s5, $0x0  }
0x1f: {  	s9 =	smul.u32 $0xF7A, s1;
	s8 =	simm.s32 @!p0 $0x1BF5;
	p2 =	por !p2, p0  }
0x20: {  	[sflag:s8] =	ssyncset.s32 @!p0 $0xFFFFF086;
	s6 =	sadd.s32 @!p0 s3, s7;
	s7 =	simm.s32 @!p0 $0x108  }
0x21: {  	s3 =	sadd.s32 s3, s9;
	s6 =	sadd.s32 @!p0 $0x88, s6;
	s7 =	simm.s32 @p2 $0x1082  }
0x22: {  	[simem:s7], [sflag:s8] =	dma.local @!p0 [hbm:s6], $0xF7A  }
0x23: {  	s9 =	sor.u32 $0xD0000000, s2;
	s6 =	simm.s32 $0x108;
	_ =	swait.ge @!p0 [sflag:s8], $0x0  }
0x24: {  	s3 =	sadd.s32 $0x88, s3;
	s6 =	simm.s32 @!p1 $0x1082;
	[sflag:s4] =	ssyncset.s32 $0xFFFFF086  }
0x25: {  	[simem:s6], [sflag:s4] =	dma.local [hbm:s3], $0xF7A  }
0x26: {  	[smem:$0x3F9E] =	sst s1;
	(tag) =	ssettag s2;
	_ =	strace s9  }
0x27: {  	s1 =	sld [smem:$0x3FAE]  }
0x28: {  	s2 =	sld [smem:$0x3FAF]  }
0x29: {  	s4 =	sld [smem:$0x3FB1]  }
0x2a: {  	p0 =	seq.s32 s5, $0x0;
	s5 =	sld [smem:$0x3FB2]  }
0x2b: {  	s6 =	sld [smem:$0x3FB3]  }
0x2c: {  	s7 =	sld [smem:$0x3FB4]  }
0x2d: {  	s3 =	simm.s32 $0x108;
	s8 =	sld [smem:$0x3FB5]  }
0x2e: {  	s3 =	simm.s32 @!p0 $0x1082;
	s9 =	sld [smem:$0x3FB6]  }
0x2f: {  	lr =	sadd.s32 s0, s3;
	s0 =	sld [smem:$0x3FAD]  }
0x30: {  	s3 =	sld [smem:$0x3FB0]  }
0x31: {  	[smem:$0x3FB9] =	sst s10  }
0x32: {  	s10 =	sld [smem:$0x3FB7];
	_ =	sdelay $0x3  }
0x33: {  	p0 =	seq.s32 s10, $0x1;
	s10 =	sld [smem:$0x3FB9];
	_ =	sdelay $0x3  }
0x34: {  	[smem:$0x3FB9] =	sst s10  }
0x35: {  	s10 =	sld [smem:$0x3FB8];
	_ =	sdelay $0x3  }
0x36: {  	p1 =	seq.s32 s10, $0x1;
	s10 =	sld [smem:$0x3FB9];
	_ =	sdelay $0x3  }
0x37: {  	[smem:$0x3FB9] =	sst s10  }
0x38: {  	s10 =	sld [smem:$0x3FBA]  }
0x39: {  	_ = 	snop;
	(pc) =	sbr.ind lr, $3  }
0x3a: {  	_ = 	snop  }
0x3b: {  	_ = 	snop  }
0x3c: {  	p2 =	seq.s32 s10, $0x1;
	s10 =	sld [smem:$0x3FB9]  }
0x3d: {  	_ =	shalt  }
0x3e: {  	_ =	shalt  }
0x3f: {  	_ =	shalt  }
0x40: {  	_ =	shalt  }
0x41: {  	_ =	shalt  }
0x42: {  	_ =	shalt  }
0x43: {  	_ =	shalt  }
0x44: {  	_ =	shalt  }
0x45: {  	_ =	shalt  }
0x46: {  	_ =	shalt  }
0x47: {  	_ =	shalt  }
0x48: {  	_ =	shalt  }
0x49: {  	_ =	shalt  }
0x4a: {  	_ =	shalt  }
0x4b: {  	_ =	shalt  }
0x4c: {  	_ =	shalt  }
0x4d: {  	_ =	shalt  }
0x4e: {  	_ =	shalt  }
0x4f: {  	_ =	shalt  }
0x50: {  	_ =	shalt  }
0x51: {  	_ =	shalt  }
0x52: {  	_ =	shalt  }
0x53: {  	_ =	shalt  }
0x54: {  	_ =	shalt  }
0x55: {  	_ =	shalt  }
0x56: {  	_ =	shalt  }
0x57: {  	_ =	shalt  }
0x58: {  	_ =	shalt  }
0x59: {  	_ =	shalt  }
0x5a: {  	_ =	shalt  }
0x5b: {  	_ =	shalt  }
0x5c: {  	_ =	shalt  }
0x5d: {  	_ =	shalt  }
0x5e: {  	_ =	shalt  }
0x5f: {  	_ =	shalt  }
0x60: {  	_ =	shalt  }
0x61: {  	_ =	shalt  }
0x62: {  	_ =	shalt  }
0x63: {  	_ =	shalt  }
0x64: {  	_ =	shalt  }
0x65: {  	_ =	shalt  }
0x66: {  	_ =	shalt  }
0x67: {  	_ =	shalt  }
0x68: {  	_ =	shalt  }
0x69: {  	_ =	shalt  }
0x6a: {  	_ =	shalt  }
0x6b: {  	_ =	shalt  }
0x6c: {  	_ =	shalt  }
0x6d: {  	_ =	shalt  }
0x6e: {  	_ =	shalt  }
0x6f: {  	_ =	shalt  }
0x70: {  	_ =	shalt  }
0x71: {  	_ =	shalt  }
0x72: {  	_ =	shalt  }
0x73: {  	_ =	shalt  }
0x74: {  	_ =	shalt  }
0x75: {  	_ =	shalt  }
0x76: {  	_ =	shalt  }
0x77: {  	_ =	shalt  }
0x78: {  	_ =	shalt  }
0x79: {  	_ =	shalt  }
0x7a: {  	_ =	shalt  }
0x7b: {  	_ =	shalt  }
0x7c: {  	_ =	shalt  }
0x7d: {  	_ =	shalt  }
0x7e: {  	_ =	shalt  }
0x7f: {  	_ =	shalt  }
0x80: {  	_ =	shalt  }
0x81: {  	_ =	shalt  }
0x82: {  	_ =	shalt  }
0x83: {  	_ =	shalt  }
0x84: {  	_ =	shalt  }
0x85: {  	_ =	shalt  }
0x86: {  	_ =	shalt  }
0x87: {  	_ =	shalt  }
.Lfunc_end0:
.L_simem_size_0:
called_computation_lowered:
.L_overlay_start_0:
0x88: {  	s2 =	sld [smem:$0x3FD9]  }
0x89: {  	s3 =	sld [smem:$0x3FFE];
	_ =	sdelay $0x1  }
0x8a: {  	s1 =	srdreg.scid  }
0x8b: {  	s0 =	sand.u32 $0x1, s1  }
0x8c: {  	s17 =	sshll.u32 s0, $0xA;
	s2 =	sadd.s32 s3, s2  }
0x8d: {  	s2 =	sadd.s32 s2, s17  }
0x8e: {  	[smem:$0x3FC5] =	sst s2  }
0x8f: {  	_ = 	snop  }
0x90: {  	s2 =	sld [smem:$0x3FC8];
	(tm) =	ssettm $0x1  }
0x91: {  	s18 =	sld [smem:$0x3FFB];
	_ =	sdelay $0x3  }
0x92: {  	_ =	strace s18  }
0x93: {  	s3 =	sld [smem:$0x3FFC];
	_ =	sdelay $0x3  }
0x94: {  	_ =	strace s3  }
0x95: {  	s3 =	sld [smem:$0x3FFD];
	_ =	sdelay $0x3  }
0x96: {  	_ =	strace s3  }
0x97: {  	_ =	strace $0x8FFFFFFF  }
0x98: {  	s19 =	sld [smem:$0x3FDB];
	_ =	sdelay $0x1  }
0x99: {  	s4 =	simm.s32 $_scs_section_size  }
0x9a: {  	s5 =	simm.s32 $_size__tile_overlayer_lowered;
	s6 =	simm.s32 $_tile_overlayer_lowered  }
0x9b: {  	s22 =	simm.s32 $0x1BFF;
	s21 =	sshll.u32 s6, $0x1;
	s3 =	sadd.s32 s4, s19  }
0x9c: {  	s7 =	simm.s32 $0x0;
	s20 =	sshll.u32 s5, $0x1;
	s5 =	sadd.s32 s21, s3  }
0x9d: {  	[timem:s7], [sflag:s22] =	dma.local [hbm:s5], s20  }
0x9e: {  	_ =	swait.ge [sflag:s22], s20  }
0x9f: {  	s4 =	ssub.s32 $0x0, s20;
	[sflag:s22] =	ssyncset.done $0x0  }
0xa0: {  	[sflag:s22] =	ssyncadd.s32 s4;
	_ =	sdelay $0x1  }
0xa1: {  	s23 =	simm.s32 $0x1B8B  }
0xa2: {  	_ =	swait.ge [sflag:s23], $0x1  }
0xa3: {  	[sflag:s23] =	ssyncset.done $0x0  }
0xa4: {  	s25 =	simm.s32 $0x1B8E;
	s24 =	sld [smem:$0x3FFE];
	[sflag:s23] =	ssyncadd.s32 $0xFFFFFFFF  }
0xa5: {  	s26 =	simm.s32 $execute0_lowered;
	[smem:$0x3FD2] =	sst s25  }
0xa6: {  	s5 =	sshll.u32 s26, $0x1;
	_ =	strace $0x80000046;
	[dreg:$0x1] =	wrdreg $0xFFFFFFFF  }
0xa7: {  	s28 =	simm.s32 $_size_execute0_lowered;
	s3 =	sadd.s32 s3, s5;
	[dreg:$0x0] =	wrdreg $0x0  }
0xa8: {  	s5 =	sshll.u32 s28, $0x1;
	[dreg:$0x2] =	wrdreg s3  }
0xa9: {  	[dreg:$0x3] =	wrdreg s5  }
0xaa: {  	[dreg:$0x4] =	wrdreg $0xC0  }
0xab: {  	_ =	task [dreg:s7], $0x5FFFF  }
0xac: {  	[dreg:$0x1] =	wrdreg $0xFFFFFFFF  }
0xad: {  	[dreg:$0x0] =	wrdreg $0x60  }
0xae: {  	[dreg:$0x2] =	wrdreg s24  }
0xaf: {  	[dreg:$0x3] =	wrdreg s2  }
0xb0: {  	[dreg:$0x4] =	wrdreg $0x9  }
0xb1: {  	_ =	task.clear_ibuf [dreg:s7], $0x5FFFF;
	_ =	strace $0x90000046  }
0xb2: {  	s29 =	simm.s32 $0x9;
	_ =	strace $0x80000048  }
0xb3: {  	_ =	swait.ge [sflag:s29], $0x1  }
0xb4: {  	[sflag:s29] =	ssyncadd.s32 $0xFFFFFFFF  }
0xb5: {  	_ =	strace $0x90000048  }
0xb6: {  	_ =	sfence  }
0xb7: {  	s30 =	sld [smem:$0x0];
	_ =	sdelay $0x2  }
0xb8: {  	s31 =	sshll.u32 s1, $0xD;
	s1 =	sshrl.u32 s1, $0x2  }
0xb9: {  	s3 =	sand.u32 $0x4000, s31;
	s1 =	sadd.s32 s1, s30  }
0xba: {  	s0 =	sor.u32 s3, s0;
	s1 =	sshll.u32 s1, $0x11  }
0xbb: {  	s0 =	sor.u32 s1, s0  }
0xbc: {  	s0 =	sadd.s32 $0x8F2B, s0  }
0xbd: {  	[sflag:s0] =	ssyncadd.remote.s32 $0x1  }
0xbe: {  	_ =	sfence.sel $0xFFFF  }
0xbf: {  	[dreg:$0x0] =	wrdreg $0xFFFFFFFF;
	(pc) =	sbr.abs _section_cstart, $3  }
0xc0: {  	[dreg:$0x1] =	wrdreg $0xFFFFFFFF  }
0xc1: {  	_ =	task.clear_ibuf [dreg:s7], $0x2FFFF;
	_ =	strace $0x9FFFFFFF  }
0xc2: {  	(tm) =	ssettm $0x7FFFFFFF  }
0xc3: {  	_ =	shalt  }
tec
execute0_lowered:
.L_overlay_start_1:
0x0: {  	(tag) =	ssettag $0x1  }
0x1: {  	s0 =	rddreg [dreg:$0x0]  }
0x2: {  	s1 =	rddreg [dreg:$0x1];
	s2 =	simm.s32 $0x0  }
0x3: {  	s3 =	srdreg.scid;
	s5 =	stileid.u32;
	s12 =	simm.s32 $0x1  }
0x4: {  	s13 =	simm.s32 $0x2;
	s14 =	simm.s32 $0x3;
	s15 =	simm.s32 $0x4  }
0x5: {  	s16 =	simm.s32 $0x5;
	s17 =	simm.s32 $0x6;
	s18 =	simm.s32 $0x7  }
0x6: {  	[smem:$0x7FF] =	sst s2;
	s4 =	sand.u32 $0x1, s3;
	s26 =	sshll.u32 s5, $0x1  }
0x7: {  	s3 =	sadd.s32 $0x40600, s0;
	_ =	strace $0x80000047;
	s5 =	sor.u32 s4, s26  }
0x8: {  	s4 =	ssub.s32 $0x2, s4;
	s6 =	sshll.u32 s5, $0xD;
	s28 =	sshll.u32 s5, $0x6  }
0x9: {  	s7 =	sshll.u32 s5, $0x4;
	s6 =	sadd.s32 s6, s0;
	s1 =	sadd.s32 s1, s28  }
0xa: {  	s8 =	sshrl.u32 s4, $0x1;
	[dreg:$0x3] =	wrdreg s1;
	s29 =	sadd.s32 $0x600, s6  }
0xb: {  	s0 =	sadd.s32 s7, s0;
	s30 =	sadd.s32 $0x1600, s6;
	[dreg:$0x4] =	wrdreg s29  }
0xc: {  	s8 =	ssub.s32 s4, s8;
	s0 =	sadd.s32 $0xF82A00, s0;
	[dreg:$0x5] =	wrdreg s30  }
0xd: {  	s19 =	simm.s32 $0x8;
	s31 =	smax.u32 s8, $0x1;
	[dreg:$0x6] =	wrdreg s0  }
0xe: {  	v0 =	vimm.f32 $0.0e+00;
	s21 =	simm.s32 $0x0;
	s1 =	simm.s32 $0xA;
	[dreg:$0x7] =	wrdreg s31  }
.LBB2_1:
0xf: {  	s0 =	rddreg [dreg:$0x3]  }
0x10: {  	[tilespmem:s2], [sflag:$0xA] =	stream.linear.gather [hbm4b:s0+s2], $0x200, $0x38;
	[tilespmem:$0x10280] =	vst v63  }
0x11: {  	_ =	swait.ge [sflag:s1], $0x200  }
0x12: {  	[sflag:s1] =	ssyncset.done $0x0  }
0x13: {  	s31 =	simm.s32 $0x8200;
	s30 =	rddreg [dreg:$0x4];
	[sflag:s1] =	ssyncadd.s32 $0xFFFFFE00  }
0x14: {  	[tilespmem:s31], [sflag:$0x9] =	stream.linear.gather [hbm4b:s30+s2], $0x8000, $0x38;
	[tilespmem:$0x10280] =	vst v63  }
0x15: {  	v1 =	vld [tilespmem:s2+$0x0];
	_ =	sdelay $0x4  }
0x16: {  	v1 =	vshll.u32 v1, $0x4  }
0x17: {  	(v2sf) =	vpush v1, $0x0  }
0x18: {  	(v2sf) =	vpush v1, $0x1  }
0x19: {  	(v2sf) =	vpush v1, $0x2;
	_ =	sdelay $0x1  }
0x1a: {  	(v2sf) =	vpush v1, $0x4;
	_ =	sdelay $0x1  }
0x1b: {  	(v2sf) =	vpush v1, $0x3  }
0x1c: {  	(v2sf) =	vpush v1, $0x5  }
0x1d: {  	s23 =	simm.s32 $0x2000;
	s22 =	simm.s32 $0x0;
	s24 =	simm.s32 $0x0;
	(v2sf) =	vpush v1, $0x6  }
.LBB2_2:
0x1e: {  	p0 =	sne.s32 s23, $0x1E000  }
0x1f: {  	s10 =	sadd.s32 $0x280, s22;
	s29 =	sadd.s32 $0x780, s22;
	s25 =	smov.u32 s23  }
0x20: {  	s23 =	sadd.s32 $0x2000, s23;
	s0 =	sadd.s32 $0x580, s22;
	s26 =	sadd.s32 $0x800, s22;
	(v2sf) =	vpush v1, $0x7  }
0x21: {  	s20 =	sadd.s32 $0x480, s22;
	s31 =	sadd.s32 $0x600, s22;
	s28 =	sadd.s32 $0x880, s22  }
0x22: {  	s4 =	sadd.s32 $0x200, s22;
	s5 =	sadd.s32 $0x400, s22;
	(v2sf) =	vpush v1, $0x8  }
0x23: {  	s6 =	sadd.s32 $0x500, s22;
	s24 =	sadd.s32 $0x10, s24  }
0x24: {  	s7 =	sadd.s32 $0x300, s22;
	s30 =	sadd.s32 $0x700, s22;
	s1 =	spop (v2sf);
	(v2sf) =	vpush v1, $0x9  }
0x25: {  	s8 =	sand.u32 $0x1FFFFFF0, s1;
	s1 =	sadd.s32 $0x680, s22;
	s9 =	spop (v2sf)  }
0x26: {  	s8 =	sadd.s32 s3, s8;
	s9 =	sand.u32 $0x1FFFFFF0, s9;
	s11 =	spop (v2sf);
	(v2sf) =	vpush v1, $0xA  }
0x27: {  	[tilespmem:s4], [sflag:$0x1] =	stream.linear.gather [hbm4b:s8+s2], $0x80, $0x38;
	[tilespmem:$0x10280] =	vst v63  }
0x28: {  	s4 =	sadd.s32 s3, s9;
	s8 =	sadd.s32 $0x380, s22;
	s9 =	spop (v2sf);
	(v2sf) =	vpush v1, $0xB  }
0x29: {  	[tilespmem:s10], [sflag:$0x2] =	stream.linear.gather [hbm4b:s4+s2], $0x80, $0x38;
	[tilespmem:$0x10280] =	vst v63  }
0x2a: {  	s4 =	sand.u32 $0x1FFFFFF0, s11;
	s9 =	sand.u32 $0x1FFFFFF0, s9;
	s10 =	spop (v2sf);
	(v2sf) =	vpush v1, $0xC  }
0x2b: {  	s4 =	sadd.s32 s3, s4;
	s10 =	sand.u32 $0x1FFFFFF0, s10;
	s11 =	spop (v2sf)  }
0x2c: {  	[tilespmem:s7], [sflag:$0x3] =	stream.linear.gather [hbm4b:s4+s2], $0x80, $0x38;
	(v2sf) =	vpush v1, $0xD;
	[tilespmem:$0x10280] =	vst v63  }
0x2d: {  	s4 =	sadd.s32 s3, s10;
	s7 =	sand.u32 $0x1FFFFFF0, s11;
	s10 =	spop (v2sf)  }
0x2e: {  	[tilespmem:s8], [sflag:$0x4] =	stream.linear.gather [hbm4b:s4+s2], $0x80, $0x38;
	(v2sf) =	vpush v1, $0xE;
	[tilespmem:$0x10280] =	vst v63  }
0x2f: {  	s4 =	sadd.s32 s3, s9;
	s8 =	sand.u32 $0x1FFFFFF0, s10;
	s9 =	spop (v2sf)  }
0x30: {  	[tilespmem:s5], [sflag:$0x5] =	stream.linear.gather [hbm4b:s4+s2], $0x80, $0x38;
	(v2sf) =	vpush v1, $0xF;
	[tilespmem:$0x10280] =	vst v63  }
0x31: {  	s4 =	sadd.s32 s3, s7;
	s5 =	sand.u32 $0x1FFFFFF0, s9;
	s7 =	spop (v2sf)  }
0x32: {  	[tilespmem:s20], [sflag:$0x6] =	stream.linear.gather [hbm4b:s4+s2], $0x80, $0x38;
	[tilespmem:$0x10280] =	vst v63  }
0x33: {  	s4 =	sadd.s32 s3, s8;
	s7 =	sand.u32 $0x1FFFFFF0, s7;
	s8 =	spop (v2sf)  }
0x34: {  	[tilespmem:s6], [sflag:$0x7] =	stream.linear.gather [hbm4b:s4+s2], $0x80, $0x38;
	[tilespmem:$0x10280] =	vst v63  }
0x35: {  	s4 =	sadd.s32 s3, s5;
	s5 =	sand.u32 $0x1FFFFFF0, s8;
	s6 =	spop (v2sf)  }
0x36: {  	[tilespmem:s0], [sflag:$0x8] =	stream.linear.gather [hbm4b:s4+s2], $0x80, $0x38;
	[tilespmem:$0x10280] =	vst v63  }
0x37: {  	s0 =	sadd.s32 s3, s7;
	s4 =	sand.u32 $0x1FFFFFF0, s6;
	s6 =	spop (v2sf)  }
0x38: {  	[tilespmem:s31], [sflag:$0x1] =	stream.linear.gather [hbm4b:s0+s2], $0x80, $0x38;
	[tilespmem:$0x10280] =	vst v63  }
0x39: {  	s0 =	sadd.s32 s3, s5;
	s5 =	sand.u32 $0x1FFFFFF0, s6;
	s6 =	spop (v2sf)  }
0x3a: {  	[tilespmem:s1], [sflag:$0x2] =	stream.linear.gather [hbm4b:s0+s2], $0x80, $0x38;
	[tilespmem:$0x10280] =	vst v63  }
0x3b: {  	s0 =	sadd.s32 s3, s4;
	s1 =	sand.u32 $0x1FFFFFF0, s6;
	s4 =	spop (v2sf)  }
0x3c: {  	[tilespmem:s30], [sflag:$0x3] =	stream.linear.gather [hbm4b:s0+s2], $0x80, $0x38;
	[tilespmem:$0x10280] =	vst v63  }
0x3d: {  	s0 =	sadd.s32 s3, s5;
	s4 =	sand.u32 $0x1FFFFFF0, s4;
	s5 =	spop (v2sf)  }
0x3e: {  	[tilespmem:s29], [sflag:$0x4] =	stream.linear.gather [hbm4b:s0+s2], $0x80, $0x38;
	[tilespmem:$0x10280] =	vst v63  }
0x3f: {  	s0 =	sadd.s32 s3, s1;
	s1 =	sand.u32 $0x1FFFFFF0, s5;
	s5 =	spop (v2sf)  }
0x40: {  	[tilespmem:s26], [sflag:$0x5] =	stream.linear.gather [hbm4b:s0+s2], $0x80, $0x38;
	[tilespmem:$0x10280] =	vst v63  }
0x41: {  	s0 =	sadd.s32 s3, s4;
	s4 =	sand.u32 $0x1FFFFFF0, s5  }
0x42: {  	[tilespmem:s28], [sflag:$0x6] =	stream.linear.gather [hbm4b:s0+s2], $0x80, $0x38;
	[tilespmem:$0x10280] =	vst v63  }
0x43: {  	s1 =	sadd.s32 s3, s1;
	s0 =	sadd.s32 $0x900, s22  }
0x44: {  	[tilespmem:s0], [sflag:$0x7] =	stream.linear.gather [hbm4b:s1+s2], $0x80, $0x38;
	[tilespmem:$0x10280] =	vst v63  }
0x45: {  	s0 =	sadd.s32 $0x980, s22;
	s1 =	sadd.s32 s3, s4  }
0x46: {  	[tilespmem:s0], [sflag:$0x8] =	stream.linear.gather [hbm4b:s1+s2], $0x80, $0x38;
	[tilespmem:$0x10280] =	vst v63  }
0x47: {  	v1 =	vld [tilespmem:s24+$0x0];
	_ =	sdelay $0x4  }
0x48: {  	v1 =	vshll.u32 v1, $0x4  }
0x49: {  	(v2sf) =	vpush v1, $0x0  }
0x4a: {  	(v2sf) =	vpush v1, $0x1  }
0x4b: {  	(v2sf) =	vpush v1, $0x2;
	_ =	sdelay $0x1  }
0x4c: {  	(v2sf) =	vpush v1, $0x4  }
.Ltmp0:
0x4d: {  	(pc) =	sbr.rel @p0 .LBB2_2-.Ltmp0, $3  }
0x4e: {  	(v2sf) =	vpush v1, $0x3  }
0x4f: {  	(v2sf) =	vpush v1, $0x5;
	_ =	sdelay $0x1  }
0x50: {  	s22 =	sshra.s32 s25, $0x2;
	(v2sf) =	vpush v1, $0x6  }
0x51: {  	_ =	sdelay $0x5  }
0x52: {  	s0 =	spop (v2sf)  }
0x53: {  	s1 =	spop (v2sf)  }
0x54: {  	s7 =	spop (v2sf)  }
0x55: {  	s10 =	spop (v2sf);
	(v2sf) =	vpush v1, $0x7  }
0x56: {  	s0 =	sand.u32 $0x1FFFFFF0, s0  }
0x57: {  	s4 =	sadd.s32 $0x200, s22;
	s0 =	sadd.s32 s3, s0  }
0x58: {  	[tilespmem:s4], [sflag:$0x1] =	stream.linear.gather [hbm4b:s0+s2], $0x80, $0x38;
	[tilespmem:$0x10280] =	vst v63  }
0x59: {  	s1 =	sand.u32 $0x1FFFFFF0, s1;
	s11 =	spop (v2sf);
	(v2sf) =	vpush v1, $0x8  }
0x5a: {  	s6 =	sadd.s32 $0x280, s22;
	s1 =	sadd.s32 s3, s1  }
0x5b: {  	[tilespmem:s6], [sflag:$0x2] =	stream.linear.gather [hbm4b:s1+s2], $0x80, $0x38;
	[tilespmem:$0x10280] =	vst v63  }
0x5c: {  	s8 =	sand.u32 $0x1FFFFFF0, s7;
	s25 =	spop (v2sf);
	(v2sf) =	vpush v1, $0x9  }
0x5d: {  	s9 =	sadd.s32 $0x300, s22;
	s0 =	sadd.s32 s3, s8  }
0x5e: {  	[tilespmem:s9], [sflag:$0x3] =	stream.linear.gather [hbm4b:s0+s2], $0x80, $0x38;
	[tilespmem:$0x10280] =	vst v63  }
0x5f: {  	s0 =	sand.u32 $0x1FFFFFF0, s11;
	s28 =	spop (v2sf);
	(v2sf) =	vpush v1, $0xA  }
0x60: {  	s20 =	sadd.s32 $0x380, s22;
	s23 =	sand.u32 $0x1FFFFFF0, s10;
	s0 =	sadd.s32 s3, s0  }
0x61: {  	[tilespmem:s20], [sflag:$0x4] =	stream.linear.gather [hbm4b:s0+s2], $0x80, $0x38;
	[tilespmem:$0x10280] =	vst v63  }
0x62: {  	s24 =	sadd.s32 $0x400, s22;
	s0 =	sadd.s32 s3, s23  }
0x63: {  	[tilespmem:s24], [sflag:$0x5] =	stream.linear.gather [hbm4b:s0+s2], $0x80, $0x38;
	[tilespmem:$0x10280] =	vst v63  }
0x64: {  	s0 =	sand.u32 $0x1FFFFFF0, s25;
	s30 =	spop (v2sf);
	(v2sf) =	vpush v1, $0xB  }
0x65: {  	s26 =	sadd.s32 $0x480, s22;
	s0 =	sadd.s32 s3, s0  }
0x66: {  	[tilespmem:s26], [sflag:$0x6] =	stream.linear.gather [hbm4b:s0+s2], $0x80, $0x38;
	[tilespmem:$0x10280] =	vst v63  }
0x67: {  	s0 =	sand.u32 $0x1FFFFFF0, s28  }
0x68: {  	s29 =	sadd.s32 $0x500, s22;
	s0 =	sadd.s32 s3, s0;
	s1 =	spop (v2sf);
	(v2sf) =	vpush v1, $0xC  }
0x69: {  	[tilespmem:s29], [sflag:$0x7] =	stream.linear.gather [hbm4b:s0+s2], $0x80, $0x38;
	[tilespmem:$0x10280] =	vst v63  }
0x6a: {  	s0 =	sand.u32 $0x1FFFFFF0, s30  }
0x6b: {  	s31 =	sadd.s32 $0x580, s22;
	s0 =	sadd.s32 s3, s0;
	s5 =	spop (v2sf);
	(v2sf) =	vpush v1, $0xD  }
0x6c: {  	[tilespmem:s31], [sflag:$0x8] =	stream.linear.gather [hbm4b:s0+s2], $0x80, $0x38;
	[tilespmem:$0x10280] =	vst v63  }
0x6d: {  	s0 =	sand.u32 $0x1FFFFFF0, s1  }
0x6e: {  	s4 =	sadd.s32 $0x600, s22;
	s0 =	sadd.s32 s3, s0;
	s7 =	spop (v2sf);
	(v2sf) =	vpush v1, $0xE  }
0x6f: {  	[tilespmem:s4], [sflag:$0x1] =	stream.linear.gather [hbm4b:s0+s2], $0x80, $0x38;
	[tilespmem:$0x10280] =	vst v63  }
0x70: {  	s0 =	sand.u32 $0x1FFFFFF0, s5  }
0x71: {  	s6 =	sadd.s32 $0x680, s22;
	s0 =	sadd.s32 s3, s0  }
0x72: {  	[tilespmem:s6], [sflag:$0x2] =	stream.linear.gather [hbm4b:s0+s2], $0x80, $0x38;
	[tilespmem:$0x10280] =	vst v63  }
0x73: {  	s0 =	sand.u32 $0x1FFFFFF0, s7;
	s9 =	spop (v2sf);
	(v2sf) =	vpush v1, $0xF  }
0x74: {  	s8 =	sadd.s32 $0x700, s22;
	s0 =	sadd.s32 s3, s0  }
0x75: {  	[tilespmem:s8], [sflag:$0x3] =	stream.linear.gather [hbm4b:s0+s2], $0x80, $0x38;
	[tilespmem:$0x10280] =	vst v63  }
0x76: {  	s0 =	sand.u32 $0x1FFFFFF0, s9  }
0x77: {  	s10 =	sadd.s32 $0x780, s22;
	s0 =	sadd.s32 s3, s0;
	s11 =	spop (v2sf)  }
0x78: {  	[tilespmem:s10], [sflag:$0x4] =	stream.linear.gather [hbm4b:s0+s2], $0x80, $0x38;
	[tilespmem:$0x10280] =	vst v63  }
0x79: {  	s0 =	sand.u32 $0x1FFFFFF0, s11  }
0x7a: {  	s20 =	sadd.s32 $0x800, s22;
	s23 =	spop (v2sf);
	s0 =	sadd.s32 s3, s0  }
0x7b: {  	[tilespmem:s20], [sflag:$0x5] =	stream.linear.gather [hbm4b:s0+s2], $0x80, $0x38;
	[tilespmem:$0x10280] =	vst v63  }
0x7c: {  	s0 =	sand.u32 $0x1FFFFFF0, s23  }
0x7d: {  	s24 =	sadd.s32 $0x880, s22;
	s25 =	spop (v2sf);
	s0 =	sadd.s32 s3, s0  }
0x7e: {  	[tilespmem:s24], [sflag:$0x6] =	stream.linear.gather [hbm4b:s0+s2], $0x80, $0x38;
	[tilespmem:$0x10280] =	vst v63  }
0x7f: {  	s0 =	sand.u32 $0x1FFFFFF0, s25  }
0x80: {  	s26 =	sadd.s32 $0x900, s22;
	s0 =	sadd.s32 s3, s0  }
0x81: {  	[tilespmem:s26], [sflag:$0x7] =	stream.linear.gather [hbm4b:s0+s2], $0x80, $0x38;
	[tilespmem:$0x10280] =	vst v63  }
0x82: {  	s28 =	spop (v2sf)  }
0x83: {  	s0 =	sand.u32 $0x1FFFFFF0, s28  }
0x84: {  	s29 =	sadd.s32 $0x980, s22;
	s30 =	simm.s32 $0x9;
	s0 =	sadd.s32 s3, s0  }
0x85: {  	[tilespmem:s29], [sflag:$0x8] =	stream.linear.gather [hbm4b:s0+s2], $0x80, $0x38;
	[tilespmem:$0x10280] =	vst v63  }
0x86: {  	_ =	swait.ge [sflag:s30], $0x8000  }
0x87: {  	[sflag:s30] =	ssyncset.done $0x0  }
0x88: {  	[sflag:s30] =	ssyncadd.s32 $0xFFFF8000  }
0x89: {  	_ =	swait.ge [sflag:s12], $0x1000  }
0x8a: {  	[sflag:s12] =	ssyncset.done $0x0  }
0x8b: {  	[sflag:s12] =	ssyncadd.s32 $0xFFFFF000  }
0x8c: {  	_ =	swait.ge [sflag:s13], $0x1000  }
0x8d: {  	[sflag:s13] =	ssyncset.done $0x0  }
0x8e: {  	[sflag:s13] =	ssyncadd.s32 $0xFFFFF000  }
0x8f: {  	_ =	swait.ge [sflag:s14], $0x1000  }
0x90: {  	[sflag:s14] =	ssyncset.done $0x0  }
0x91: {  	[sflag:s14] =	ssyncadd.s32 $0xFFFFF000  }
0x92: {  	_ =	swait.ge [sflag:s15], $0x1000  }
0x93: {  	[sflag:s15] =	ssyncset.done $0x0  }
0x94: {  	[sflag:s15] =	ssyncadd.s32 $0xFFFFF000  }
0x95: {  	_ =	swait.ge [sflag:s16], $0x1000  }
0x96: {  	[sflag:s16] =	ssyncset.done $0x0  }
0x97: {  	[sflag:s16] =	ssyncadd.s32 $0xFFFFF000  }
0x98: {  	_ =	swait.ge [sflag:s17], $0x1000  }
0x99: {  	[sflag:s17] =	ssyncset.done $0x0  }
0x9a: {  	[sflag:s17] =	ssyncadd.s32 $0xFFFFF000  }
0x9b: {  	_ =	swait.ge [sflag:s18], $0x1000  }
0x9c: {  	[sflag:s18] =	ssyncset.done $0x0  }
0x9d: {  	[sflag:s18] =	ssyncadd.s32 $0xFFFFF000  }
0x9e: {  	_ =	swait.ge [sflag:s19], $0x1000  }
0x9f: {  	[sflag:s19] =	ssyncset.done $0x0  }
0xa0: {  	s31 =	simm.s32 $0x0;
	[sflag:s19] =	ssyncadd.s32 $0xFFFFF000  }
0xa1: {  	v1 =	vld [tilespmem:s31+$0x8200]  }
0xa2: {  	v3 =	vld [tilespmem:s31+$0x200]  }
0xa3: {  	v8 =	vld [tilespmem:s31+$0x8210]  }
0xa4: {  	v9 =	vld [tilespmem:s31+$0x210]  }
0xa5: {  	v2 =	vld [tilespmem:s31+$0x8220]  }
0xa6: {  	v5 =	vld [tilespmem:s31+$0x220]  }
0xa7: {  	v4 =	vld [tilespmem:s31+$0x230];
	v7 =	vsub.f32 v1, v3  }
0xa8: {  	s0 =	simm.s32 $0x80;
	v1 =	vld [tilespmem:s31+$0x8230]  }
0xa9: {  	v6 =	vimm.f32 $0.0e+00;
	s1 =	simm.s32 $0x400;
	v3 =	vld [tilespmem:s0+$0x8200];
	v8 =	vsub.f32 v8, v9;
	v7 =	vmul.f32 v7, v7  }
.LBB2_4:
0xaa: {  	p0 =	sne.s32 s1, $0x1FE00;
	v9 =	vld [tilespmem:s0+$0x200]  }
0xab: {  	v10 =	vld [tilespmem:s0+$0x8210];
	v6 =	vadd.f32 v7, v6;
	v7 =	vmul.f32 v8, v8;
	v5 =	vsub.f32 v2, v5  }
0xac: {  	v8 =	vld [tilespmem:s0+$0x210]  }
.Ltmp1:
0xad: {  	v2 =	vld [tilespmem:s0+$0x8220];
	v6 =	vadd.f32 v7, v6;
	v7 =	vmul.f32 v5, v5;
	v4 =	vsub.f32 v1, v4;
	(pc) =	sbr.rel @p0 .LBB2_4-.Ltmp1, $4  }
0xae: {  	v5 =	vld [tilespmem:s0+$0x220]  }
0xaf: {  	v9 =	vsub.f32 v3, v9;
	v1 =	vld [tilespmem:s0+$0x8230];
	v6 =	vadd.f32 v7, v6;
	v11 =	vmul.f32 v4, v4  }
0xb0: {  	v4 =	vld [tilespmem:s0+$0x230];
	s0 =	sshra.s32 s1, $0x2  }
0xb1: {  	s1 =	sadd.s32 $0x200, s1;
	v3 =	vld [tilespmem:s0+$0x8200];
	v7 =	vmul.f32 v9, v9;
	v8 =	vsub.f32 v10, v8;
	v6 =	vadd.f32 v11, v6  }
0xb2: {  	v9 =	vld [tilespmem:s0+$0x200]  }
0xb3: {  	v10 =	vld [tilespmem:s0+$0x8210]  }
0xb4: {  	v11 =	vld [tilespmem:s0+$0x210]  }
0xb5: {  	v12 =	vld [tilespmem:s0+$0x8220];
	v6 =	vadd.f32 v7, v6;
	v58 =	vmul.f32 v8, v8;
	v2 =	vsub.f32 v2, v5  }
0xb6: {  	v59 =	vld [tilespmem:s0+$0x220]  }
0xb7: {  	v60 =	vld [tilespmem:s0+$0x8230];
	s22 =	simm.s32 $0x0;
	s30 =	rddreg [dreg:$0x5];
	s1 =	simm.s32 $0x8200;
	v6 =	vadd.f32 v58, v6;
	v2 =	vmul.f32 v2, v2;
	v1 =	vsub.f32 v1, v4  }
0xb8: {  	v61 =	vld [tilespmem:s0+$0x230];
	[tilespmem:s1], [sflag:$0x9] =	stream.linear.gather [hbm4b:s30+s22], $0x8000, $0x38  }
0xb9: {  	s31 =	sand.u32 $0xF0, s22;
	v3 =	vsub.f32 v3, v9;
	v2 =	vadd.f32 v2, v6;
	v1 =	vmul.f32 v1, v1  }
0xba: {  	v62 =	vld [tilespmem:s31+$0x100]  }
0xbb: {  	v63 =	vsub.f32 v10, v11;
	v3 =	vmul.f32 v3, v3;
	v1 =	vadd.f32 v1, v2;
	_ =	sdelay $0x1  }
0xbc: {  	v2 =	vmul.f32 v63, v63;
	v1 =	vadd.f32 v3, v1;
	_ =	sdelay $0x1  }
0xbd: {  	v1 =	vadd.f32 v2, v1;
	v2 =	vshll.u32 v62, $0x4  }
0xbe: {  	(v2sf) =	vpush v2, $0x0  }
0xbf: {  	(v2sf) =	vpush v2, $0x2  }
0xc0: {  	v3 =	vsub.f32 v12, v59;
	(v2sf) =	vpush v2, $0x1;
	_ =	sdelay $0x1  }
0xc1: {  	v4 =	vsub.f32 v60, v61;
	v3 =	vmul.f32 v3, v3;
	(v2sf) =	vpush v2, $0x3  }
0xc2: {  	(v2sf) =	vpush v2, $0x4  }
0xc3: {  	v1 =	vadd.f32 v3, v1;
	v3 =	vmul.f32 v4, v4;
	_ =	sdelay $0x1  }
0xc4: {  	s23 =	simm.s32 $0x2000;
	s24 =	simm.s32 $0x10;
	v1 =	vadd.f32 v3, v1  }
.LBB2_6:
0xc5: {  	p0 =	sne.s32 s23, $0x1E000;
	(v2sf) =	vpush v2, $0x5;
	s0 =	smov.u32 s23;
	s23 =	sadd.s32 $0x2000, s23  }
0xc6: {  	s25 =	sshra.s32 s22, $0x2;
	s22 =	smov.u32 s0  }
0xc7: {  	s4 =	sadd.s32 $0x280, s25;
	(v2sf) =	vpush v2, $0x6  }
0xc8: {  	s5 =	sadd.s32 $0x200, s25  }
0xc9: {  	s29 =	sadd.s32 $0x780, s25;
	s28 =	sadd.s32 $0x800, s25;
	s26 =	sadd.s32 $0x880, s25;
	(v2sf) =	vpush v2, $0x7  }
0xca: {  	s0 =	sadd.s32 $0x600, s25;
	s31 =	sadd.s32 $0x680, s25;
	s30 =	sadd.s32 $0x700, s25  }
0xcb: {  	s6 =	sadd.s32 $0x500, s25;
	s1 =	sadd.s32 $0x580, s25;
	s7 =	spop (v2sf);
	(v2sf) =	vpush v2, $0x8  }
0xcc: {  	s8 =	sadd.s32 $0x300, s25;
	s7 =	sand.u32 $0x1FFFFFF0, s7;
	s9 =	spop (v2sf)  }
0xcd: {  	s10 =	sadd.s32 $0x480, s25;
	s7 =	sadd.s32 s3, s7;
	s11 =	spop (v2sf);
	(v2sf) =	vpush v2, $0x9  }
0xce: {  	[tilespmem:s5], [sflag:$0x1] =	stream.linear.gather [hbm4b:s7+s2], $0x80, $0x38;
	[tilespmem:$0x10280] =	vst v63  }
0xcf: {  	s5 =	sand.u32 $0x1FFFFFF0, s11;
	s7 =	sand.u32 $0x1FFFFFF0, s9;
	s9 =	spop (v2sf);
	(v2sf) =	vpush v2, $0xA  }
0xd0: {  	s11 =	sadd.s32 $0x400, s25;
	s5 =	sadd.s32 s3, s5;
	s20 =	spop (v2sf)  }
0xd1: {  	[tilespmem:s4], [sflag:$0x2] =	stream.linear.gather [hbm4b:s5+s2], $0x80, $0x38;
	(v2sf) =	vpush v2, $0xB;
	[tilespmem:$0x10280] =	vst v63  }
0xd2: {  	s4 =	sadd.s32 s3, s7;
	s5 =	sand.u32 $0x1FFFFFF0, s9;
	s7 =	sand.u32 $0x1FFFFFF0, s20  }
0xd3: {  	[tilespmem:s8], [sflag:$0x3] =	stream.linear.gather [hbm4b:s4+s2], $0x80, $0x38;
	(v2sf) =	vpush v2, $0xC;
	[tilespmem:$0x10280] =	vst v63  }
0xd4: {  	s5 =	sadd.s32 s3, s5;
	s4 =	sadd.s32 $0x380, s25;
	s8 =	spop (v2sf)  }
0xd5: {  	[tilespmem:s4], [sflag:$0x4] =	stream.linear.gather [hbm4b:s5+s2], $0x80, $0x38;
	(v2sf) =	vpush v2, $0xD;
	[tilespmem:$0x10280] =	vst v63  }
0xd6: {  	s4 =	sadd.s32 s3, s7;
	s5 =	sand.u32 $0x1FFFFFF0, s8;
	s7 =	spop (v2sf)  }
0xd7: {  	[tilespmem:s11], [sflag:$0x5] =	stream.linear.gather [hbm4b:s4+s2], $0x80, $0x38;
	(v2sf) =	vpush v2, $0xE;
	[tilespmem:$0x10280] =	vst v63  }
0xd8: {  	s4 =	sadd.s32 s3, s5;
	s5 =	sand.u32 $0x1FFFFFF0, s7;
	s7 =	spop (v2sf)  }
0xd9: {  	[tilespmem:s10], [sflag:$0x6] =	stream.linear.gather [hbm4b:s4+s2], $0x80, $0x38;
	(v2sf) =	vpush v2, $0xF;
	[tilespmem:$0x10280] =	vst v63  }
0xda: {  	s4 =	sadd.s32 s3, s5;
	s5 =	sand.u32 $0x1FFFFFF0, s7;
	s7 =	spop (v2sf)  }
0xdb: {  	[tilespmem:s6], [sflag:$0x7] =	stream.linear.gather [hbm4b:s4+s2], $0x80, $0x38;
	[tilespmem:$0x10280] =	vst v63  }
0xdc: {  	s4 =	sadd.s32 s3, s5;
	s5 =	sand.u32 $0x1FFFFFF0, s7;
	s6 =	spop (v2sf)  }
0xdd: {  	[tilespmem:s1], [sflag:$0x8] =	stream.linear.gather [hbm4b:s4+s2], $0x80, $0x38;
	[tilespmem:$0x10280] =	vst v63  }
0xde: {  	s1 =	sadd.s32 s3, s5;
	s4 =	sand.u32 $0x1FFFFFF0, s6;
	s5 =	spop (v2sf)  }
0xdf: {  	[tilespmem:s0], [sflag:$0x1] =	stream.linear.gather [hbm4b:s1+s2], $0x80, $0x38;
	[tilespmem:$0x10280] =	vst v63  }
0xe0: {  	s0 =	sadd.s32 s3, s4;
	s1 =	sand.u32 $0x1FFFFFF0, s5;
	s4 =	spop (v2sf)  }
0xe1: {  	[tilespmem:s31], [sflag:$0x2] =	stream.linear.gather [hbm4b:s0+s2], $0x80, $0x38;
	[tilespmem:$0x10280] =	vst v63  }
0xe2: {  	s0 =	sadd.s32 s3, s1;
	s1 =	sand.u32 $0x1FFFFFF0, s4;
	s4 =	spop (v2sf)  }
0xe3: {  	[tilespmem:s30], [sflag:$0x3] =	stream.linear.gather [hbm4b:s0+s2], $0x80, $0x38;
	[tilespmem:$0x10280] =	vst v63  }
0xe4: {  	s0 =	sadd.s32 s3, s1;
	s1 =	sand.u32 $0x1FFFFFF0, s4;
	s4 =	spop (v2sf)  }
0xe5: {  	[tilespmem:s29], [sflag:$0x4] =	stream.linear.gather [hbm4b:s0+s2], $0x80, $0x38;
	[tilespmem:$0x10280] =	vst v63  }
0xe6: {  	s0 =	sadd.s32 s3, s1;
	s1 =	sand.u32 $0x1FFFFFF0, s4;
	s4 =	spop (v2sf)  }
0xe7: {  	[tilespmem:s28], [sflag:$0x5] =	stream.linear.gather [hbm4b:s0+s2], $0x80, $0x38;
	[tilespmem:$0x10280] =	vst v63  }
0xe8: {  	s0 =	sadd.s32 s3, s1;
	s1 =	sand.u32 $0x1FFFFFF0, s4;
	s4 =	spop (v2sf)  }
0xe9: {  	[tilespmem:s26], [sflag:$0x6] =	stream.linear.gather [hbm4b:s0+s2], $0x80, $0x38;
	[tilespmem:$0x10280] =	vst v63  }
0xea: {  	s1 =	sadd.s32 s3, s1;
	s0 =	sadd.s32 $0x900, s25;
	s4 =	sand.u32 $0x1FFFFFF0, s4  }
0xeb: {  	[tilespmem:s0], [sflag:$0x7] =	stream.linear.gather [hbm4b:s1+s2], $0x80, $0x38;
	[tilespmem:$0x10280] =	vst v63  }
0xec: {  	s4 =	sadd.s32 s3, s4;
	s0 =	sand.u32 $0xF0, s24;
	s1 =	sadd.s32 $0x980, s25  }
0xed: {  	[tilespmem:s1], [sflag:$0x8] =	stream.linear.gather [hbm4b:s4+s2], $0x80, $0x38;
	[tilespmem:$0x10280] =	vst v63  }
0xee: {  	v2 =	vld [tilespmem:s0+$0x100];
	_ =	sdelay $0x4  }
0xef: {  	v2 =	vshll.u32 v2, $0x4  }
0xf0: {  	(v2sf) =	vpush v2, $0x0  }
0xf1: {  	(v2sf) =	vpush v2, $0x2  }
0xf2: {  	(v2sf) =	vpush v2, $0x1;
	_ =	sdelay $0x1  }
.Ltmp2:
0xf3: {  	(v2sf) =	vpush v2, $0x3;
	(pc) =	sbr.rel @p0 .LBB2_6-.Ltmp2, $2  }
0xf4: {  	(v2sf) =	vpush v2, $0x4;
	_ =	sdelay $0x2  }
0xf5: {  	s24 =	sadd.s32 $0x10, s24  }
0xf6: {  	_ =	sdelay $0x5  }
0xf7: {  	s0 =	spop (v2sf)  }
0xf8: {  	s4 =	spop (v2sf);
	(v2sf) =	vpush v2, $0x5;
	_ =	sdelay $0x1  }
0xf9: {  	s7 =	spop (v2sf);
	(v2sf) =	vpush v2, $0x6;
	_ =	sdelay $0x2  }
0xfa: {  	s11 =	spop (v2sf);
	(v2sf) =	vpush v2, $0x7  }
0xfb: {  	s22 =	sshra.s32 s22, $0x2;
	s0 =	sand.u32 $0x1FFFFFF0, s0  }
0xfc: {  	s1 =	sadd.s32 $0x200, s22;
	s0 =	sadd.s32 s3, s0  }
0xfd: {  	[tilespmem:s1], [sflag:$0x1] =	stream.linear.gather [hbm4b:s0+s2], $0x80, $0x38;
	[tilespmem:$0x10280] =	vst v63  }
0xfe: {  	s0 =	sand.u32 $0x1FFFFFF0, s7;
	s23 =	spop (v2sf);
	(v2sf) =	vpush v2, $0x8  }
0xff: {  	s8 =	sadd.s32 $0x280, s22;
	s9 =	sand.u32 $0x1FFFFFF0, s4;
	s0 =	sadd.s32 s3, s0  }
0x100: {  	[tilespmem:s8], [sflag:$0x2] =	stream.linear.gather [hbm4b:s0+s2], $0x80, $0x38;
	[tilespmem:$0x10280] =	vst v63  }
0x101: {  	s10 =	sadd.s32 $0x300, s22;
	s0 =	sadd.s32 s3, s9  }
0x102: {  	[tilespmem:s10], [sflag:$0x3] =	stream.linear.gather [hbm4b:s0+s2], $0x80, $0x38;
	[tilespmem:$0x10280] =	vst v63  }
0x103: {  	s0 =	sand.u32 $0x1FFFFFF0, s11  }
0x104: {  	s20 =	sadd.s32 $0x380, s22;
	s0 =	sadd.s32 s3, s0;
	s25 =	spop (v2sf);
	(v2sf) =	vpush v2, $0x9  }
0x105: {  	[tilespmem:s20], [sflag:$0x4] =	stream.linear.gather [hbm4b:s0+s2], $0x80, $0x38;
	[tilespmem:$0x10280] =	vst v63  }
0x106: {  	s0 =	sand.u32 $0x1FFFFFF0, s23;
	s28 =	spop (v2sf);
	(v2sf) =	vpush v2, $0xA  }
0x107: {  	s24 =	sadd.s32 $0x400, s22;
	s0 =	sadd.s32 s3, s0  }
0x108: {  	[tilespmem:s24], [sflag:$0x5] =	stream.linear.gather [hbm4b:s0+s2], $0x80, $0x38;
	[tilespmem:$0x10280] =	vst v63  }
0x109: {  	s0 =	sand.u32 $0x1FFFFFF0, s25;
	s30 =	spop (v2sf);
	(v2sf) =	vpush v2, $0xB  }
0x10a: {  	s26 =	sadd.s32 $0x480, s22;
	s0 =	sadd.s32 s3, s0  }
0x10b: {  	[tilespmem:s26], [sflag:$0x6] =	stream.linear.gather [hbm4b:s0+s2], $0x80, $0x38;
	[tilespmem:$0x10280] =	vst v63  }
0x10c: {  	s0 =	sand.u32 $0x1FFFFFF0, s28  }
0x10d: {  	s29 =	sadd.s32 $0x500, s22;
	s0 =	sadd.s32 s3, s0;
	s1 =	spop (v2sf)  }
0x10e: {  	(v2sf) =	vpush v2, $0xC;
	[tilespmem:s29], [sflag:$0x7] =	stream.linear.gather [hbm4b:s0+s2], $0x80, $0x38;
	[tilespmem:$0x10280] =	vst v63  }
0x10f: {  	s0 =	sand.u32 $0x1FFFFFF0, s30  }
0x110: {  	s31 =	sadd.s32 $0x580, s22;
	s0 =	sadd.s32 s3, s0  }
0x111: {  	[tilespmem:s31], [sflag:$0x8] =	stream.linear.gather [hbm4b:s0+s2], $0x80, $0x38;
	[tilespmem:$0x10280] =	vst v63  }
0x112: {  	s0 =	sand.u32 $0x1FFFFFF0, s1  }
0x113: {  	s4 =	sadd.s32 $0x600, s22;
	s0 =	sadd.s32 s3, s0;
	s5 =	spop (v2sf);
	(v2sf) =	vpush v2, $0xD  }
0x114: {  	[tilespmem:s4], [sflag:$0x1] =	stream.linear.gather [hbm4b:s0+s2], $0x80, $0x38;
	[tilespmem:$0x10280] =	vst v63  }
0x115: {  	s0 =	sand.u32 $0x1FFFFFF0, s5;
	s7 =	spop (v2sf);
	(v2sf) =	vpush v2, $0xE  }
0x116: {  	s6 =	sadd.s32 $0x680, s22;
	s0 =	sadd.s32 s3, s0  }
0x117: {  	[tilespmem:s6], [sflag:$0x2] =	stream.linear.gather [hbm4b:s0+s2], $0x80, $0x38;
	[tilespmem:$0x10280] =	vst v63  }
0x118: {  	s9 =	spop (v2sf);
	(v2sf) =	vpush v2, $0xF  }
0x119: {  	s0 =	sand.u32 $0x1FFFFFF0, s7  }
0x11a: {  	s8 =	sadd.s32 $0x700, s22;
	s0 =	sadd.s32 s3, s0  }
0x11b: {  	[tilespmem:s8], [sflag:$0x3] =	stream.linear.gather [hbm4b:s0+s2], $0x80, $0x38;
	[tilespmem:$0x10280] =	vst v63  }
0x11c: {  	s0 =	sand.u32 $0x1FFFFFF0, s9  }
0x11d: {  	s10 =	sadd.s32 $0x780, s22;
	s11 =	spop (v2sf);
	s0 =	sadd.s32 s3, s0  }
0x11e: {  	[tilespmem:s10], [sflag:$0x4] =	stream.linear.gather [hbm4b:s0+s2], $0x80, $0x38;
	[tilespmem:$0x10280] =	vst v63  }
0x11f: {  	s0 =	sand.u32 $0x1FFFFFF0, s11  }
0x120: {  	s20 =	sadd.s32 $0x800, s22;
	s0 =	sadd.s32 s3, s0  }
0x121: {  	[tilespmem:s20], [sflag:$0x5] =	stream.linear.gather [hbm4b:s0+s2], $0x80, $0x38;
	[tilespmem:$0x10280] =	vst v63  }
0x122: {  	s23 =	spop (v2sf)  }
0x123: {  	s0 =	sand.u32 $0x1FFFFFF0, s23  }
0x124: {  	s24 =	sadd.s32 $0x880, s22;
	s25 =	spop (v2sf);
	s0 =	sadd.s32 s3, s0  }
0x125: {  	[tilespmem:s24], [sflag:$0x6] =	stream.linear.gather [hbm4b:s0+s2], $0x80, $0x38;
	[tilespmem:$0x10280] =	vst v63  }
0x126: {  	s0 =	sand.u32 $0x1FFFFFF0, s25  }
0x127: {  	s26 =	sadd.s32 $0x900, s22;
	s28 =	spop (v2sf);
	s0 =	sadd.s32 s3, s0  }
0x128: {  	[tilespmem:s26], [sflag:$0x7] =	stream.linear.gather [hbm4b:s0+s2], $0x80, $0x38;
	[tilespmem:$0x10280] =	vst v63  }
0x129: {  	s0 =	sand.u32 $0x1FFFFFF0, s28  }
0x12a: {  	s29 =	sadd.s32 $0x980, s22;
	s30 =	simm.s32 $0x9;
	s0 =	sadd.s32 s3, s0  }
0x12b: {  	[tilespmem:s29], [sflag:$0x8] =	stream.linear.gather [hbm4b:s0+s2], $0x80, $0x38;
	[tilespmem:$0x10280] =	vst v63  }
0x12c: {  	_ =	swait.ge [sflag:s30], $0x8000  }
0x12d: {  	[sflag:s30] =	ssyncset.done $0x0  }
0x12e: {  	[sflag:s30] =	ssyncadd.s32 $0xFFFF8000  }
0x12f: {  	_ =	swait.ge [sflag:s12], $0x1000  }
0x130: {  	[sflag:s12] =	ssyncset.done $0x0  }
0x131: {  	[sflag:s12] =	ssyncadd.s32 $0xFFFFF000  }
0x132: {  	_ =	swait.ge [sflag:s13], $0x1000  }
0x133: {  	[sflag:s13] =	ssyncset.done $0x0  }
0x134: {  	[sflag:s13] =	ssyncadd.s32 $0xFFFFF000  }
0x135: {  	_ =	swait.ge [sflag:s14], $0x1000  }
0x136: {  	[sflag:s14] =	ssyncset.done $0x0  }
0x137: {  	[sflag:s14] =	ssyncadd.s32 $0xFFFFF000  }
0x138: {  	_ =	swait.ge [sflag:s15], $0x1000  }
0x139: {  	[sflag:s15] =	ssyncset.done $0x0  }
0x13a: {  	[sflag:s15] =	ssyncadd.s32 $0xFFFFF000  }
0x13b: {  	_ =	swait.ge [sflag:s16], $0x1000  }
0x13c: {  	[sflag:s16] =	ssyncset.done $0x0  }
0x13d: {  	[sflag:s16] =	ssyncadd.s32 $0xFFFFF000  }
0x13e: {  	_ =	swait.ge [sflag:s17], $0x1000  }
0x13f: {  	[sflag:s17] =	ssyncset.done $0x0  }
0x140: {  	[sflag:s17] =	ssyncadd.s32 $0xFFFFF000  }
0x141: {  	_ =	swait.ge [sflag:s18], $0x1000  }
0x142: {  	[sflag:s18] =	ssyncset.done $0x0  }
0x143: {  	[sflag:s18] =	ssyncadd.s32 $0xFFFFF000  }
0x144: {  	_ =	swait.ge [sflag:s19], $0x1000  }
0x145: {  	[sflag:s19] =	ssyncset.done $0x0  }
0x146: {  	s31 =	simm.s32 $0x0;
	[sflag:s19] =	ssyncadd.s32 $0xFFFFF000  }
0x147: {  	v2 =	vld [tilespmem:s31+$0x8200]  }
0x148: {  	v4 =	vld [tilespmem:s31+$0x200]  }
0x149: {  	v8 =	vld [tilespmem:s31+$0x8210]  }
0x14a: {  	v9 =	vld [tilespmem:s31+$0x210]  }
0x14b: {  	v3 =	vld [tilespmem:s31+$0x8220]  }
0x14c: {  	v6 =	vld [tilespmem:s31+$0x220]  }
0x14d: {  	v5 =	vld [tilespmem:s31+$0x230];
	v7 =	vsub.f32 v2, v4  }
0x14e: {  	s0 =	simm.s32 $0x80;
	v2 =	vld [tilespmem:s31+$0x8230]  }
0x14f: {  	s1 =	simm.s32 $0x400;
	v4 =	vld [tilespmem:s0+$0x8200];
	v8 =	vsub.f32 v8, v9;
	v7 =	vmul.f32 v7, v7  }
.LBB2_8:
0x150: {  	p0 =	sne.s32 s1, $0x1FE00;
	v9 =	vld [tilespmem:s0+$0x200]  }
0x151: {  	v10 =	vld [tilespmem:s0+$0x8210];
	v1 =	vadd.f32 v7, v1;
	v7 =	vmul.f32 v8, v8;
	v6 =	vsub.f32 v3, v6  }
0x152: {  	v8 =	vld [tilespmem:s0+$0x210]  }
.Ltmp3:
0x153: {  	v3 =	vld [tilespmem:s0+$0x8220];
	v1 =	vadd.f32 v7, v1;
	v7 =	vmul.f32 v6, v6;
	v5 =	vsub.f32 v2, v5;
	(pc) =	sbr.rel @p0 .LBB2_8-.Ltmp3, $4  }
0x154: {  	v6 =	vld [tilespmem:s0+$0x220]  }
0x155: {  	v9 =	vsub.f32 v4, v9;
	v2 =	vld [tilespmem:s0+$0x8230];
	v1 =	vadd.f32 v7, v1;
	v11 =	vmul.f32 v5, v5  }
0x156: {  	v5 =	vld [tilespmem:s0+$0x230];
	s0 =	sshra.s32 s1, $0x2  }
0x157: {  	s1 =	sadd.s32 $0x200, s1;
	v4 =	vld [tilespmem:s0+$0x8200];
	v7 =	vmul.f32 v9, v9;
	v8 =	vsub.f32 v10, v8;
	v1 =	vadd.f32 v11, v1  }
0x158: {  	v9 =	vld [tilespmem:s0+$0x200]  }
0x159: {  	v10 =	vld [tilespmem:s0+$0x8210];
	v1 =	vadd.f32 v7, v1;
	v58 =	vmul.f32 v8, v8;
	v3 =	vsub.f32 v3, v6  }
0x15a: {  	v59 =	vld [tilespmem:s0+$0x210]  }
0x15b: {  	v60 =	vld [tilespmem:s0+$0x8220];
	v1 =	vadd.f32 v58, v1;
	v3 =	vmul.f32 v3, v3;
	v2 =	vsub.f32 v2, v5  }
0x15c: {  	v61 =	vld [tilespmem:s0+$0x220]  }
0x15d: {  	v62 =	vld [tilespmem:s0+$0x8230];
	v4 =	vsub.f32 v4, v9;
	v1 =	vadd.f32 v3, v1;
	v2 =	vmul.f32 v2, v2  }
0x15e: {  	v3 =	vld [tilespmem:s0+$0x230]  }
0x15f: {  	v6 =	vsub.f32 v10, v59;
	v4 =	vmul.f32 v4, v4;
	v1 =	vadd.f32 v2, v1;
	_ =	sdelay $0x1  }
0x160: {  	v63 =	vsub.f32 v60, v61;
	v2 =	vmul.f32 v6, v6;
	v1 =	vadd.f32 v4, v1  }
0x161: {  	[tilespmem:$0x10210] =	vst v0  }
0x162: {  	[tilespmem:$0x10220] =	vst v0;
	v3 =	vsub.f32 v62, v3;
	v1 =	vadd.f32 v2, v1;
	v2 =	vmul.f32 v63, v63  }
0x163: {  	[tilespmem:$0x10230] =	vst v0  }
0x164: {  	[tilespmem:$0x10240] =	vst v0;
	v1 =	vadd.f32 v2, v1;
	v2 =	vmul.f32 v3, v3  }
0x165: {  	[tilespmem:$0x10250] =	vst v0  }
0x166: {  	[tilespmem:$0x10260] =	vst v0;
	v1 =	vadd.f32 v2, v1  }
0x167: {  	[tilespmem:$0x10270] =	vst v0  }
0x168: {  	s30 =	rddreg [dreg:$0x6];
	s1 =	simm.s32 $0x10200;
	[tilespmem:$0x10200] =	vst v1  }
0x169: {  	[hbm4b:s30+s2] =	stream.linear.scatter [tilespmem:s1], [sflag:$0xA], $0x80, $0x38;
	[tilespmem:$0x10280] =	vst v63  }
0x16a: {  	s1 =	simm.s32 $0xA  }
0x16b: {  	_ =	swait.ge [sflag:s1], $0x80  }
0x16c: {  	s21 =	sadd.s32 $0x1, s21;
	s31 =	rddreg [dreg:$0x7]  }
0x16d: {  	p0 =	sne.s32 s21, s31  }
.Ltmp4:
0x16e: {  	_ = 	snop;
	(pc) =	sbr.rel @p0 .LBB2_1-.Ltmp4, $3  }
0x16f: {  	_ =	sdelay $0x1  }
0x170: {  	[sflag:s1] =	ssyncset.done $0x0  }
0x171: {  	[sflag:s1] =	ssyncadd.s32 $0xFFFFFF80  }
0x172: {  	_ =	sfence.sel $0x180000  }
0x173: {  	[bflag:$0x0] =	sbarrier.arrive $0xFFFF  }
0x174: {  	_ =	strace $0x90000047  }
0x175: {  	s0 =	stileid.u32;
	[bflag:$0x2] =	sbarrier.arrive $0xFFFF  }
0x176: {  	p0 =	sne.s32 s0, $0x0;
	s0 =	rddreg [dreg:$0x2]  }
0x177: {  	s0 =	sadd.s32 @!p0 $0x100000, s0  }
0x178: {  	[sflag:s0] =	ssyncadd.tile.s32 @!p0 $0x1;
	_ =	shalt  }
.Lfunc_end2:
_tile_overlayer_lowered:
.L_overlay_start_2:
0x179: {  	(tag) =	ssettag $0x2  }
0x17a: {  	s0 =	rddreg [dreg:$0x0];
	s2 =	stileid.u32  }
0x17b: {  	s1 =	rddreg [dreg:$0x1];
	p0 =	sne.s32 s2, $0x0  }
0x17c: {  	s3 =	rddreg [dreg:$0x2];
	[bflag:$0x3] =	sbarrier.arrive $0xFFFF;
	s2 =	simm.s32 @!p0 $0x1C0A  }
0x17d: {  	[timem:s3], [sflag:s2] =	dma.local @!p0 [hbm:s0], s1  }
0x17e: {  	s0 =	simm.s32 @!p0 $0xA  }
0x17f: {  	_ =	swait.ge @!p0 [sflag:s0], s1  }
0x180: {  	s1 =	ssub.s32 @!p0 $0x0, s1;
	[sflag:s0] =	ssyncset.done @!p0 $0x0  }
0x181: {  	[sflag:s0] =	ssyncadd.s32 @!p0 s1  }
0x182: {  	[bflag:$0x3] =	sbarrier.arrive $0xFFFF  }
0x183: {  	_ =	shalt  }

</sc_bundles>
